<compile_context>
chip_gen: v7x
topology: tpu7x:2x2x1
jax: 0.10.2.dev20260603
libtpu: 0.0.44.dev20260713+nightly
codegen_flags: <defaults>
</compile_context>

<pallas_src>
import jax
import jax.numpy as jnp
from jax import lax
from jax.experimental import pallas as pl
from jax.experimental.pallas import tpu as pltpu
from jax.experimental.pallas import tpu_sc as plsc

N = 50000
D = 256
NSEG = 64

NPAD = 50176
BLK = 1792
GRID = NPAD // BLK

NW = 32
RPW = NSEG // NW


def _fused_body(x_ref, b3_ref, W1_ref, b1_ref, W2_ref, b2_ref, up_ref,
                den_ref):
    i = pl.program_id(0)
    x = x_ref[...]
    h = jnp.tanh(jnp.dot(x, W1_ref[...], preferred_element_type=jnp.float32)
                 + b1_ref[...])
    s = jnp.sum(h * W2_ref[...], axis=1) + b2_ref[0, 0]
    row = jax.lax.broadcasted_iota(jnp.int32, (BLK,), 0) + i * BLK
    e = jnp.where(row < N, jnp.exp(s), 0.0)
    bb = b3_ref[0, 0, :]
    seg = jax.lax.broadcasted_iota(jnp.int32, (NSEG, BLK), 0)
    m = jnp.where(bb[None, :] == seg, e[None, :], 0.0)

    @pl.when(i == 0)
    def _init():
        up_ref[...] = jnp.zeros_like(up_ref)
        den_ref[...] = jnp.zeros_like(den_ref)

    xm = jnp.where(row[:, None] < N, x, 0.0)
    up_ref[...] = up_ref[...] + jnp.dot(
        m, xm, preferred_element_type=jnp.float32)
    den_ref[...] = den_ref[...] + jnp.sum(m, axis=1)[:, None]


def _norm_body(up_hbm, den_hbm, out_hbm, u_v, d_v):
    cid = lax.axis_index("c")
    sid = lax.axis_index("s")
    wid = cid * 16 + sid
    r0 = wid * RPW
    pltpu.sync_copy(up_hbm.at[pl.ds(r0, RPW)], u_v)
    pltpu.sync_copy(den_hbm, d_v.at[pl.ds(0, NSEG)])
    dvec = d_v[pl.ds(r0, 16)]
    rvv = 1.0 / (dvec + 1e-16)
    for r in range(RPW):
        rv = rvv[r]
        for j in range(D // 16):
            sl = pl.ds(j * 16, 16)
            u_v[r, sl] = u_v[r, sl] * rv
    pltpu.sync_copy(u_v, out_hbm.at[pl.ds(r0, RPW)])


def kernel(x, batch, W1, b1, W2, b2):
    batch32 = batch.astype(jnp.int32)
    bpad = jnp.pad(batch32, (0, NPAD - N))
    b3 = bpad.reshape(GRID, 1, BLK)
    b1r = b1.reshape(1, D)
    W2r = W2.reshape(1, D)
    b2r = b2.reshape(1, 1)

    up, den = pl.pallas_call(
        _fused_body,
        grid=(GRID,),
        in_specs=[
            pl.BlockSpec((BLK, D), lambda i: (i, 0)),
            pl.BlockSpec((1, 1, BLK), lambda i: (i, 0, 0)),
            pl.BlockSpec((D, D), lambda i: (0, 0)),
            pl.BlockSpec((1, D), lambda i: (0, 0)),
            pl.BlockSpec((1, D), lambda i: (0, 0)),
            pl.BlockSpec((1, 1), lambda i: (0, 0)),
        ],
        out_specs=[
            pl.BlockSpec((NSEG, D), lambda i: (0, 0)),
            pl.BlockSpec((NSEG, 128), lambda i: (0, 0)),
        ],
        out_shape=[
            jax.ShapeDtypeStruct((NSEG, D), jnp.float32),
            jax.ShapeDtypeStruct((NSEG, 128), jnp.float32),
        ],
    )(x, b3, W1, b1r, W2r, b2r)

    mesh = plsc.VectorSubcoreMesh(core_axis_name="c", subcore_axis_name="s",
                                  num_cores=2, num_subcores=16)
    out = pl.kernel(
        _norm_body,
        out_type=jax.ShapeDtypeStruct((NSEG, D), jnp.float32),
        mesh=mesh,
        scratch_types=[
            pltpu.VMEM((RPW, D), jnp.float32),
            pltpu.VMEM((NSEG + 16,), jnp.float32),
        ],
    )(up, den[:, 0])
    return out

# --- scband reference (transcript-rebuilt; emitter-appended) ---
"""Pipeline reference for scband-attentional-pooling-25872882991405 (READ-ONLY COPY).

The authoritative reference and input builder live on the scoring server;
editing this copy changes nothing except your own understanding.
"""

import jax, jax.numpy as jnp
import numpy as np

NUM_SEGMENTS = 64

def setup_inputs(seed: int = 0) -> dict:
    key = jax.random.key(seed)
    k1, k2, k3, k4 = jax.random.split(key, 4)
    N, D = 50000, 256
    x = jax.random.normal(k1, (N, D), dtype=jnp.float32)
    batch = jnp.sort(jax.random.randint(k2, (N,), 0, NUM_SEGMENTS)).astype(jnp.int64)
    W1 = jax.random.normal(k3, (D, D), dtype=jnp.float32) * (1.0 / np.sqrt(D))
    b1 = jnp.zeros((D,), dtype=jnp.float32)
    W2 = jax.random.normal(k4, (D, 1), dtype=jnp.float32) * (1.0 / np.sqrt(D))
    b2 = jnp.zeros((1,), dtype=jnp.float32)
    return {"x": x, "batch": batch, "W1": W1, "b1": b1, "W2": W2, "b2": b2}

def reference(x, batch, W1, b1, W2, b2):
    # attention_layer: Linear -> Tanh -> Linear(->1)
    h = jnp.tanh(x @ W1 + b1)
    scores = (h @ W2 + b2)[:, 0]
    # torch_geometric.utils.softmax over segments given by batch
    seg_max = jax.ops.segment_max(scores, batch, num_segments=NUM_SEGMENTS)
    shifted = scores - seg_max[batch]
    e = jnp.exp(shifted)
    denom = jax.ops.segment_sum(e, batch, num_segments=NUM_SEGMENTS)
    attn = e / (denom[batch] + 1e-16)
    # weighted sum pooling (scatter-add)
    x_weighted = x * attn[:, None]
    return jax.ops.segment_sum(x_weighted, batch, num_segments=NUM_SEGMENTS)

if __name__ == "__main__":
    import jax
    _d = setup_inputs()
    print(jax.jit(kernel)(*tuple(_d.values())))

</pallas_src>

<mosaic_0001>
#map = affine_map<(d0, d1) -> (0, 0)>
#map1 = affine_map<(d0, d1) -> (0)>
module attributes {stable_mosaic.version = 14 : i64} {
  func.func @_norm_body(%arg0: i32, %arg1: i32, %arg2: memref<64x256xf32, #tpu.memory_space<hbm>>, %arg3: memref<64xf32, #tpu.memory_space<hbm>>, %arg4: memref<64x256xf32, #tpu.memory_space<hbm>>, %arg5: memref<2x256xf32, #tpu.memory_space<vmem>>, %arg6: memref<80xf32, #tpu.memory_space<vmem>>) attributes {dimension_semantics = [#tpu.dimension_semantics<core_parallel>, #tpu.dimension_semantics<subcore_parallel>], iteration_bounds = array<i64: 2, 16>, scalar_prefetch = 0 : i64, scratch_operands = 2 : i64, tpu.core_type = #tpu.core_type<sc_vector_subcore>, window_params = [{transform_indices = #map}, {transform_indices = #map1}, {transform_indices = #map}]} {
    %mul3A = arith.constant 16 : i32
    %mul3A_0 = arith.muli %arg0, %mul3A : i32
    %add3A = arith.addi %mul3A_0, %arg1 : i32
    %mul3A_1 = arith.constant 2 : i32
    %mul3A_2 = arith.muli %add3A, %mul3A_1 : i32
    "tpu.region"() ({
      %run_scoped3A = tpu.sem_alloc : memref<!tpu.dma_semaphore, #tpu.memory_space<semaphore_mem>>
      %dma_start3A = arith.constant 0 : i32
      %dma_start3A_427 = tpu.memref_slice %arg2[%mul3A_2, %dma_start3A] : memref<64x256xf32, #tpu.memory_space<hbm>> -> memref<2x256xf32, #tpu.memory_space<hbm>>
      %dma_start3A_428 = arith.constant 0 : i32
      %dma_start3A_429 = tpu.memref_slice %arg2[%mul3A_2, %dma_start3A_428] : memref<64x256xf32, #tpu.memory_space<hbm>> -> memref<2x256xf32, #tpu.memory_space<hbm>>
      tpu.enqueue_dma source(%dma_start3A_429 : memref<2x256xf32, #tpu.memory_space<hbm>>) target(%arg5 : memref<2x256xf32, #tpu.memory_space<vmem>>) target_semaphore(%run_scoped3A : memref<!tpu.dma_semaphore, #tpu.memory_space<semaphore_mem>>)
      %dma_wait3A = arith.constant 0 : i32
      %dma_wait3A_430 = tpu.memref_slice %arg2[%mul3A_2, %dma_wait3A] : memref<64x256xf32, #tpu.memory_space<hbm>> -> memref<2x256xf32, #tpu.memory_space<hbm>>
      %dma_wait3A_431 = arith.constant 0 : i32
      %dma_wait3A_432 = tpu.memref_slice %arg2[%mul3A_2, %dma_wait3A_431] : memref<64x256xf32, #tpu.memory_space<hbm>> -> memref<2x256xf32, #tpu.memory_space<hbm>>
      tpu.wait_dma2 semaphore(%run_scoped3A : memref<!tpu.dma_semaphore, #tpu.memory_space<semaphore_mem>>) src(%dma_wait3A_432 : memref<2x256xf32, #tpu.memory_space<hbm>>) dst(%arg5 : memref<2x256xf32, #tpu.memory_space<vmem>>)
      tpu.yield
    }) : () -> ()
    "tpu.region"() ({
      %run_scoped3A = tpu.sem_alloc : memref<!tpu.dma_semaphore, #tpu.memory_space<semaphore_mem>>
      %dma_start3A = arith.constant 0 : i32
      %dma_start3A_427 = tpu.memref_slice %arg6[%dma_start3A] : memref<80xf32, #tpu.memory_space<vmem>> -> memref<64xf32, #tpu.memory_space<vmem>>
      %dma_start3A_428 = arith.constant 0 : i32
      %dma_start3A_429 = tpu.memref_slice %arg6[%dma_start3A_428] : memref<80xf32, #tpu.memory_space<vmem>> -> memref<64xf32, #tpu.memory_space<vmem>>
      tpu.enqueue_dma source(%arg3 : memref<64xf32, #tpu.memory_space<hbm>>) target(%dma_start3A_429 : memref<64xf32, #tpu.memory_space<vmem>>) target_semaphore(%run_scoped3A : memref<!tpu.dma_semaphore, #tpu.memory_space<semaphore_mem>>)
      %dma_wait3A = arith.constant 0 : i32
      %dma_wait3A_430 = tpu.memref_slice %arg6[%dma_wait3A] : memref<80xf32, #tpu.memory_space<vmem>> -> memref<64xf32, #tpu.memory_space<vmem>>
      %dma_wait3A_431 = arith.constant 0 : i32
      %dma_wait3A_432 = tpu.memref_slice %arg6[%dma_wait3A_431] : memref<80xf32, #tpu.memory_space<vmem>> -> memref<64xf32, #tpu.memory_space<vmem>>
      tpu.wait_dma2 semaphore(%run_scoped3A : memref<!tpu.dma_semaphore, #tpu.memory_space<semaphore_mem>>) src(%arg3 : memref<64xf32, #tpu.memory_space<hbm>>) dst(%dma_wait3A_432 : memref<64xf32, #tpu.memory_space<vmem>>)
      tpu.yield
    }) : () -> ()
    %get3A = arith.index_cast %mul3A_2 : i32 to index
    %get3A_3 = tpu.vector_load %arg6[%get3A] {strides = array<i32>} : memref<80xf32, #tpu.memory_space<vmem>>, vector<16xf32>,
    %get3A_4 = vector.shape_cast %get3A_3 : vector<16xf32> to vector<16xf32>
    %add3A_5 = arith.constant 1.000000e-16 : f32
    %add3A_6 = vector.broadcast %add3A_5 : f32 to vector<16xf32>
    %add3A_7 = arith.addf %get3A_4, %add3A_6 : vector<16xf32>
    %div3A = arith.constant 1.000000e+00 : f32
    %div3A_8 = vector.broadcast %div3A : f32 to vector<16xf32>
    %div3A_9 = arith.divf %div3A_8, %add3A_7 : vector<16xf32>
    %slice3A = vector.extract_strided_slice %div3A_9 {offsets = [0], sizes = [1], strides = [1]} : vector<16xf32> to vector<1xf32>
    %squeeze3A = vector.extract %slice3A[0] : f32 from vector<1xf32>
    %get3A_10 = arith.constant 0 : i32
    %get3A_11 = arith.index_cast %get3A_10 : i32 to index
    %get3A_12 = arith.constant 0 : index
    %get3A_13 = tpu.vector_load %arg5[%get3A_11, %get3A_12] {strides = array<i32>} : memref<2x256xf32, #tpu.memory_space<vmem>>, vector<1x16xf32>,
    %get3A_14 = vector.shape_cast %get3A_13 : vector<1x16xf32> to vector<16xf32>
    %mul3A_15 = vector.broadcast %squeeze3A : f32 to vector<16xf32>
    %mul3A_16 = arith.mulf %get3A_14, %mul3A_15 : vector<16xf32>
    %swap3A = arith.constant 0 : i32
    %swap3A_17 = arith.index_cast %swap3A : i32 to index
    %swap3A_18 = arith.constant 0 : index
    %swap3A_19 = tpu.vector_load %arg5[%swap3A_17, %swap3A_18] {strides = array<i32>} : memref<2x256xf32, #tpu.memory_space<vmem>>, vector<1x16xf32>,
    %swap3A_20 = vector.shape_cast %swap3A_19 : vector<1x16xf32> to vector<16xf32>
    %swap3A_21 = vector.shape_cast %mul3A_16 : vector<16xf32> to vector<1x16xf32>
    tpu.vector_store %arg5[%swap3A_17, %swap3A_18], %swap3A_21 {strides = array<i32>} : memref<2x256xf32, #tpu.memory_space<vmem>>, vector<1x16xf32>,
    %get3A_22 = arith.constant 0 : i32
    %get3A_23 = arith.index_cast %get3A_22 : i32 to index
    %get3A_24 = arith.constant 16 : index
    %get3A_25 = tpu.vector_load %arg5[%get3A_23, %get3A_24] {strides = array<i32>} : memref<2x256xf32, #tpu.memory_space<vmem>>, vector<1x16xf32>,
    %get3A_26 = vector.shape_cast %get3A_25 : vector<1x16xf32> to vector<16xf32>
    %mul3A_27 = vector.broadcast %squeeze3A : f32 to vector<16xf32>
    %mul3A_28 = arith.mulf %get3A_26, %mul3A_27 : vector<16xf32>
    %swap3A_29 = arith.constant 0 : i32
    %swap3A_30 = arith.index_cast %swap3A_29 : i32 to index
    %swap3A_31 = arith.constant 16 : index
    %swap3A_32 = tpu.vector_load %arg5[%swap3A_30, %swap3A_31] {strides = array<i32>} : memref<2x256xf32, #tpu.memory_space<vmem>>, vector<1x16xf32>,
    %swap3A_33 = vector.shape_cast %swap3A_32 : vector<1x16xf32> to vector<16xf32>
    %swap3A_34 = vector.shape_cast %mul3A_28 : vector<16xf32> to vector<1x16xf32>
    tpu.vector_store %arg5[%swap3A_30, %swap3A_31], %swap3A_34 {strides = array<i32>} : memref<2x256xf32, #tpu.memory_space<vmem>>, vector<1x16xf32>,
    %get3A_35 = arith.constant 0 : i32
    %get3A_36 = arith.index_cast %get3A_35 : i32 to index
    %get3A_37 = arith.constant 32 : index
    %get3A_38 = tpu.vector_load %arg5[%get3A_36, %get3A_37] {strides = array<i32>} : memref<2x256xf32, #tpu.memory_space<vmem>>, vector<1x16xf32>,
    %get3A_39 = vector.shape_cast %get3A_38 : vector<1x16xf32> to vector<16xf32>
    %mul3A_40 = vector.broadcast %squeeze3A : f32 to vector<16xf32>
    %mul3A_41 = arith.mulf %get3A_39, %mul3A_40 : vector<16xf32>
    %swap3A_42 = arith.constant 0 : i32
    %swap3A_43 = arith.index_cast %swap3A_42 : i32 to index
    %swap3A_44 = arith.constant 32 : index
    %swap3A_45 = tpu.vector_load %arg5[%swap3A_43, %swap3A_44] {strides = array<i32>} : memref<2x256xf32, #tpu.memory_space<vmem>>, vector<1x16xf32>,
    %swap3A_46 = vector.shape_cast %swap3A_45 : vector<1x16xf32> to vector<16xf32>
    %swap3A_47 = vector.shape_cast %mul3A_41 : vector<16xf32> to vector<1x16xf32>
    tpu.vector_store %arg5[%swap3A_43, %swap3A_44], %swap3A_47 {strides = array<i32>} : memref<2x256xf32, #tpu.memory_space<vmem>>, vector<1x16xf32>,
    %get3A_48 = arith.constant 0 : i32
    %get3A_49 = arith.index_cast %get3A_48 : i32 to index
    %get3A_50 = arith.constant 48 : index
    %get3A_51 = tpu.vector_load %arg5[%get3A_49, %get3A_50] {strides = array<i32>} : memref<2x256xf32, #tpu.memory_space<vmem>>, vector<1x16xf32>,
    %get3A_52 = vector.shape_cast %get3A_51 : vector<1x16xf32> to vector<16xf32>
    %mul3A_53 = vector.broadcast %squeeze3A : f32 to vector<16xf32>
    %mul3A_54 = arith.mulf %get3A_52, %mul3A_53 : vector<16xf32>
    %swap3A_55 = arith.constant 0 : i32
    %swap3A_56 = arith.index_cast %swap3A_55 : i32 to index
    %swap3A_57 = arith.constant 48 : index
    %swap3A_58 = tpu.vector_load %arg5[%swap3A_56, %swap3A_57] {strides = array<i32>} : memref<2x256xf32, #tpu.memory_space<vmem>>, vector<1x16xf32>,
    %swap3A_59 = vector.shape_cast %swap3A_58 : vector<1x16xf32> to vector<16xf32>
    %swap3A_60 = vector.shape_cast %mul3A_54 : vector<16xf32> to vector<1x16xf32>
    tpu.vector_store %arg5[%swap3A_56, %swap3A_57], %swap3A_60 {strides = array<i32>} : memref<2x256xf32, #tpu.memory_space<vmem>>, vector<1x16xf32>,
    %get3A_61 = arith.constant 0 : i32
    %get3A_62 = arith.index_cast %get3A_61 : i32 to index
    %get3A_63 = arith.constant 64 : index
    %get3A_64 = tpu.vector_load %arg5[%get3A_62, %get3A_63] {strides = array<i32>} : memref<2x256xf32, #tpu.memory_space<vmem>>, vector<1x16xf32>,
    %get3A_65 = vector.shape_cast %get3A_64 : vector<1x16xf32> to vector<16xf32>
    %mul3A_66 = vector.broadcast %squeeze3A : f32 to vector<16xf32>
    %mul3A_67 = arith.mulf %get3A_65, %mul3A_66 : vector<16xf32>
    %swap3A_68 = arith.constant 0 : i32
    %swap3A_69 = arith.index_cast %swap3A_68 : i32 to index
    %swap3A_70 = arith.constant 64 : index
    %swap3A_71 = tpu.vector_load %arg5[%swap3A_69, %swap3A_70] {strides = array<i32>} : memref<2x256xf32, #tpu.memory_space<vmem>>, vector<1x16xf32>,
    %swap3A_72 = vector.shape_cast %swap3A_71 : vector<1x16xf32> to vector<16xf32>
    %swap3A_73 = vector.shape_cast %mul3A_67 : vector<16xf32> to vector<1x16xf32>
    tpu.vector_store %arg5[%swap3A_69, %swap3A_70], %swap3A_73 {strides = array<i32>} : memref<2x256xf32, #tpu.memory_space<vmem>>, vector<1x16xf32>,
    %get3A_74 = arith.constant 0 : i32
    %get3A_75 = arith.index_cast %get3A_74 : i32 to index
    %get3A_76 = arith.constant 80 : index
    %get3A_77 = tpu.vector_load %arg5[%get3A_75, %get3A_76] {strides = array<i32>} : memref<2x256xf32, #tpu.memory_space<vmem>>, vector<1x16xf32>,
    %get3A_78 = vector.shape_cast %get3A_77 : vector<1x16xf32> to vector<16xf32>
    %mul3A_79 = vector.broadcast %squeeze3A : f32 to vector<16xf32>
    %mul3A_80 = arith.mulf %get3A_78, %mul3A_79 : vector<16xf32>
    %swap3A_81 = arith.constant 0 : i32
    %swap3A_82 = arith.index_cast %swap3A_81 : i32 to index
    %swap3A_83 = arith.constant 80 : index
    %swap3A_84 = tpu.vector_load %arg5[%swap3A_82, %swap3A_83] {strides = array<i32>} : memref<2x256xf32, #tpu.memory_space<vmem>>, vector<1x16xf32>,
    %swap3A_85 = vector.shape_cast %swap3A_84 : vector<1x16xf32> to vector<16xf32>
    %swap3A_86 = vector.shape_cast %mul3A_80 : vector<16xf32> to vector<1x16xf32>
    tpu.vector_store %arg5[%swap3A_82, %swap3A_83], %swap3A_86 {strides = array<i32>} : memref<2x256xf32, #tpu.memory_space<vmem>>, vector<1x16xf32>,
    %get3A_87 = arith.constant 0 : i32
    %get3A_88 = arith.index_cast %get3A_87 : i32 to index
    %get3A_89 = arith.constant 96 : index
    %get3A_90 = tpu.vector_load %arg5[%get3A_88, %get3A_89] {strides = array<i32>} : memref<2x256xf32, #tpu.memory_space<vmem>>, vector<1x16xf32>,
    %get3A_91 = vector.shape_cast %get3A_90 : vector<1x16xf32> to vector<16xf32>
    %mul3A_92 = vector.broadcast %squeeze3A : f32 to vector<16xf32>
    %mul3A_93 = arith.mulf %get3A_91, %mul3A_92 : vector<16xf32>
    %swap3A_94 = arith.constant 0 : i32
    %swap3A_95 = arith.index_cast %swap3A_94 : i32 to index
    %swap3A_96 = arith.constant 96 : index
    %swap3A_97 = tpu.vector_load %arg5[%swap3A_95, %swap3A_96] {strides = array<i32>} : memref<2x256xf32, #tpu.memory_space<vmem>>, vector<1x16xf32>,
    %swap3A_98 = vector.shape_cast %swap3A_97 : vector<1x16xf32> to vector<16xf32>
    %swap3A_99 = vector.shape_cast %mul3A_93 : vector<16xf32> to vector<1x16xf32>
    tpu.vector_store %arg5[%swap3A_95, %swap3A_96], %swap3A_99 {strides = array<i32>} : memref<2x256xf32, #tpu.memory_space<vmem>>, vector<1x16xf32>,
    %get3A_100 = arith.constant 0 : i32
    %get3A_101 = arith.index_cast %get3A_100 : i32 to index
    %get3A_102 = arith.constant 112 : index
    %get3A_103 = tpu.vector_load %arg5[%get3A_101, %get3A_102] {strides = array<i32>} : memref<2x256xf32, #tpu.memory_space<vmem>>, vector<1x16xf32>,
    %get3A_104 = vector.shape_cast %get3A_103 : vector<1x16xf32> to vector<16xf32>
    %mul3A_105 = vector.broadcast %squeeze3A : f32 to vector<16xf32>
    %mul3A_106 = arith.mulf %get3A_104, %mul3A_105 : vector<16xf32>
    %swap3A_107 = arith.constant 0 : i32
    %swap3A_108 = arith.index_cast %swap3A_107 : i32 to index
    %swap3A_109 = arith.constant 112 : index
    %swap3A_110 = tpu.vector_load %arg5[%swap3A_108, %swap3A_109] {strides = array<i32>} : memref<2x256xf32, #tpu.memory_space<vmem>>, vector<1x16xf32>,
    %swap3A_111 = vector.shape_cast %swap3A_110 : vector<1x16xf32> to vector<16xf32>
    %swap3A_112 = vector.shape_cast %mul3A_106 : vector<16xf32> to vector<1x16xf32>
    tpu.vector_store %arg5[%swap3A_108, %swap3A_109], %swap3A_112 {strides = array<i32>} : memref<2x256xf32, #tpu.memory_space<vmem>>, vector<1x16xf32>,
    %get3A_113 = arith.constant 0 : i32
    %get3A_114 = arith.index_cast %get3A_113 : i32 to index
    %get3A_115 = arith.constant 128 : index
    %get3A_116 = tpu.vector_load %arg5[%get3A_114, %get3A_115] {strides = array<i32>} : memref<2x256xf32, #tpu.memory_space<vmem>>, vector<1x16xf32>,
    %get3A_117 = vector.shape_cast %get3A_116 : vector<1x16xf32> to vector<16xf32>
    %mul3A_118 = vector.broadcast %squeeze3A : f32 to vector<16xf32>
    %mul3A_119 = arith.mulf %get3A_117, %mul3A_118 : vector<16xf32>
    %swap3A_120 = arith.constant 0 : i32
    %swap3A_121 = arith.index_cast %swap3A_120 : i32 to index
    %swap3A_122 = arith.constant 128 : index
    %swap3A_123 = tpu.vector_load %arg5[%swap3A_121, %swap3A_122] {strides = array<i32>} : memref<2x256xf32, #tpu.memory_space<vmem>>, vector<1x16xf32>,
    %swap3A_124 = vector.shape_cast %swap3A_123 : vector<1x16xf32> to vector<16xf32>
    %swap3A_125 = vector.shape_cast %mul3A_119 : vector<16xf32> to vector<1x16xf32>
    tpu.vector_store %arg5[%swap3A_121, %swap3A_122], %swap3A_125 {strides = array<i32>} : memref<2x256xf32, #tpu.memory_space<vmem>>, vector<1x16xf32>,
    %get3A_126 = arith.constant 0 : i32
    %get3A_127 = arith.index_cast %get3A_126 : i32 to index
    %get3A_128 = arith.constant 144 : index
    %get3A_129 = tpu.vector_load %arg5[%get3A_127, %get3A_128] {strides = array<i32>} : memref<2x256xf32, #tpu.memory_space<vmem>>, vector<1x16xf32>,
    %get3A_130 = vector.shape_cast %get3A_129 : vector<1x16xf32> to vector<16xf32>
    %mul3A_131 = vector.broadcast %squeeze3A : f32 to vector<16xf32>
    %mul3A_132 = arith.mulf %get3A_130, %mul3A_131 : vector<16xf32>
    %swap3A_133 = arith.constant 0 : i32
    %swap3A_134 = arith.index_cast %swap3A_133 : i32 to index
    %swap3A_135 = arith.constant 144 : index
    %swap3A_136 = tpu.vector_load %arg5[%swap3A_134, %swap3A_135] {strides = array<i32>} : memref<2x256xf32, #tpu.memory_space<vmem>>, vector<1x16xf32>,
    %swap3A_137 = vector.shape_cast %swap3A_136 : vector<1x16xf32> to vector<16xf32>
    %swap3A_138 = vector.shape_cast %mul3A_132 : vector<16xf32> to vector<1x16xf32>
    tpu.vector_store %arg5[%swap3A_134, %swap3A_135], %swap3A_138 {strides = array<i32>} : memref<2x256xf32, #tpu.memory_space<vmem>>, vector<1x16xf32>,
    %get3A_139 = arith.constant 0 : i32
    %get3A_140 = arith.index_cast %get3A_139 : i32 to index
    %get3A_141 = arith.constant 160 : index
    %get3A_142 = tpu.vector_load %arg5[%get3A_140, %get3A_141] {strides = array<i32>} : memref<2x256xf32, #tpu.memory_space<vmem>>, vector<1x16xf32>,
    %get3A_143 = vector.shape_cast %get3A_142 : vector<1x16xf32> to vector<16xf32>
    %mul3A_144 = vector.broadcast %squeeze3A : f32 to vector<16xf32>
    %mul3A_145 = arith.mulf %get3A_143, %mul3A_144 : vector<16xf32>
    %swap3A_146 = arith.constant 0 : i32
    %swap3A_147 = arith.index_cast %swap3A_146 : i32 to index
    %swap3A_148 = arith.constant 160 : index
    %swap3A_149 = tpu.vector_load %arg5[%swap3A_147, %swap3A_148] {strides = array<i32>} : memref<2x256xf32, #tpu.memory_space<vmem>>, vector<1x16xf32>,
    %swap3A_150 = vector.shape_cast %swap3A_149 : vector<1x16xf32> to vector<16xf32>
    %swap3A_151 = vector.shape_cast %mul3A_145 : vector<16xf32> to vector<1x16xf32>
    tpu.vector_store %arg5[%swap3A_147, %swap3A_148], %swap3A_151 {strides = array<i32>} : memref<2x256xf32, #tpu.memory_space<vmem>>, vector<1x16xf32>,
    %get3A_152 = arith.constant 0 : i32
    %get3A_153 = arith.index_cast %get3A_152 : i32 to index
    %get3A_154 = arith.constant 176 : index
    %get3A_155 = tpu.vector_load %arg5[%get3A_153, %get3A_154] {strides = array<i32>} : memref<2x256xf32, #tpu.memory_space<vmem>>, vector<1x16xf32>,
    %get3A_156 = vector.shape_cast %get3A_155 : vector<1x16xf32> to vector<16xf32>
    %mul3A_157 = vector.broadcast %squeeze3A : f32 to vector<16xf32>
    %mul3A_158 = arith.mulf %get3A_156, %mul3A_157 : vector<16xf32>
    %swap3A_159 = arith.constant 0 : i32
    %swap3A_160 = arith.index_cast %swap3A_159 : i32 to index
    %swap3A_161 = arith.constant 176 : index
    %swap3A_162 = tpu.vector_load %arg5[%swap3A_160, %swap3A_161] {strides = array<i32>} : memref<2x256xf32, #tpu.memory_space<vmem>>, vector<1x16xf32>,
    %swap3A_163 = vector.shape_cast %swap3A_162 : vector<1x16xf32> to vector<16xf32>
    %swap3A_164 = vector.shape_cast %mul3A_158 : vector<16xf32> to vector<1x16xf32>
    tpu.vector_store %arg5[%swap3A_160, %swap3A_161], %swap3A_164 {strides = array<i32>} : memref<2x256xf32, #tpu.memory_space<vmem>>, vector<1x16xf32>,
    %get3A_165 = arith.constant 0 : i32
    %get3A_166 = arith.index_cast %get3A_165 : i32 to index
    %get3A_167 = arith.constant 192 : index
    %get3A_168 = tpu.vector_load %arg5[%get3A_166, %get3A_167] {strides = array<i32>} : memref<2x256xf32, #tpu.memory_space<vmem>>, vector<1x16xf32>,
    %get3A_169 = vector.shape_cast %get3A_168 : vector<1x16xf32> to vector<16xf32>
    %mul3A_170 = vector.broadcast %squeeze3A : f32 to vector<16xf32>
    %mul3A_171 = arith.mulf %get3A_169, %mul3A_170 : vector<16xf32>
    %swap3A_172 = arith.constant 0 : i32
    %swap3A_173 = arith.index_cast %swap3A_172 : i32 to index
    %swap3A_174 = arith.constant 192 : index
    %swap3A_175 = tpu.vector_load %arg5[%swap3A_173, %swap3A_174] {strides = array<i32>} : memref<2x256xf32, #tpu.memory_space<vmem>>, vector<1x16xf32>,
    %swap3A_176 = vector.shape_cast %swap3A_175 : vector<1x16xf32> to vector<16xf32>
    %swap3A_177 = vector.shape_cast %mul3A_171 : vector<16xf32> to vector<1x16xf32>
    tpu.vector_store %arg5[%swap3A_173, %swap3A_174], %swap3A_177 {strides = array<i32>} : memref<2x256xf32, #tpu.memory_space<vmem>>, vector<1x16xf32>,
    %get3A_178 = arith.constant 0 : i32
    %get3A_179 = arith.index_cast %get3A_178 : i32 to index
    %get3A_180 = arith.constant 208 : index
    %get3A_181 = tpu.vector_load %arg5[%get3A_179, %get3A_180] {strides = array<i32>} : memref<2x256xf32, #tpu.memory_space<vmem>>, vector<1x16xf32>,
    %get3A_182 = vector.shape_cast %get3A_181 : vector<1x16xf32> to vector<16xf32>
    %mul3A_183 = vector.broadcast %squeeze3A : f32 to vector<16xf32>
    %mul3A_184 = arith.mulf %get3A_182, %mul3A_183 : vector<16xf32>
    %swap3A_185 = arith.constant 0 : i32
    %swap3A_186 = arith.index_cast %swap3A_185 : i32 to index
    %swap3A_187 = arith.constant 208 : index
    %swap3A_188 = tpu.vector_load %arg5[%swap3A_186, %swap3A_187] {strides = array<i32>} : memref<2x256xf32, #tpu.memory_space<vmem>>, vector<1x16xf32>,
    %swap3A_189 = vector.shape_cast %swap3A_188 : vector<1x16xf32> to vector<16xf32>
    %swap3A_190 = vector.shape_cast %mul3A_184 : vector<16xf32> to vector<1x16xf32>
    tpu.vector_store %arg5[%swap3A_186, %swap3A_187], %swap3A_190 {strides = array<i32>} : memref<2x256xf32, #tpu.memory_space<vmem>>, vector<1x16xf32>,
    %get3A_191 = arith.constant 0 : i32
    %get3A_192 = arith.index_cast %get3A_191 : i32 to index
    %get3A_193 = arith.constant 224 : index
    %get3A_194 = tpu.vector_load %arg5[%get3A_192, %get3A_193] {strides = array<i32>} : memref<2x256xf32, #tpu.memory_space<vmem>>, vector<1x16xf32>,
    %get3A_195 = vector.shape_cast %get3A_194 : vector<1x16xf32> to vector<16xf32>
    %mul3A_196 = vector.broadcast %squeeze3A : f32 to vector<16xf32>
    %mul3A_197 = arith.mulf %get3A_195, %mul3A_196 : vector<16xf32>
    %swap3A_198 = arith.constant 0 : i32
    %swap3A_199 = arith.index_cast %swap3A_198 : i32 to index
    %swap3A_200 = arith.constant 224 : index
    %swap3A_201 = tpu.vector_load %arg5[%swap3A_199, %swap3A_200] {strides = array<i32>} : memref<2x256xf32, #tpu.memory_space<vmem>>, vector<1x16xf32>,
    %swap3A_202 = vector.shape_cast %swap3A_201 : vector<1x16xf32> to vector<16xf32>
    %swap3A_203 = vector.shape_cast %mul3A_197 : vector<16xf32> to vector<1x16xf32>
    tpu.vector_store %arg5[%swap3A_199, %swap3A_200], %swap3A_203 {strides = array<i32>} : memref<2x256xf32, #tpu.memory_space<vmem>>, vector<1x16xf32>,
    %get3A_204 = arith.constant 0 : i32
    %get3A_205 = arith.index_cast %get3A_204 : i32 to index
    %get3A_206 = arith.constant 240 : index
    %get3A_207 = tpu.vector_load %arg5[%get3A_205, %get3A_206] {strides = array<i32>} : memref<2x256xf32, #tpu.memory_space<vmem>>, vector<1x16xf32>,
    %get3A_208 = vector.shape_cast %get3A_207 : vector<1x16xf32> to vector<16xf32>
    %mul3A_209 = vector.broadcast %squeeze3A : f32 to vector<16xf32>
    %mul3A_210 = arith.mulf %get3A_208, %mul3A_209 : vector<16xf32>
    %swap3A_211 = arith.constant 0 : i32
    %swap3A_212 = arith.index_cast %swap3A_211 : i32 to index
    %swap3A_213 = arith.constant 240 : index
    %swap3A_214 = tpu.vector_load %arg5[%swap3A_212, %swap3A_213] {strides = array<i32>} : memref<2x256xf32, #tpu.memory_space<vmem>>, vector<1x16xf32>,
    %swap3A_215 = vector.shape_cast %swap3A_214 : vector<1x16xf32> to vector<16xf32>
    %swap3A_216 = vector.shape_cast %mul3A_210 : vector<16xf32> to vector<1x16xf32>
    tpu.vector_store %arg5[%swap3A_212, %swap3A_213], %swap3A_216 {strides = array<i32>} : memref<2x256xf32, #tpu.memory_space<vmem>>, vector<1x16xf32>,
    %slice3A_217 = vector.extract_strided_slice %div3A_9 {offsets = [1], sizes = [1], strides = [1]} : vector<16xf32> to vector<1xf32>
    %squeeze3A_218 = vector.extract %slice3A_217[0] : f32 from vector<1xf32>
    %get3A_219 = arith.constant 1 : i32
    %get3A_220 = arith.index_cast %get3A_219 : i32 to index
    %get3A_221 = arith.constant 0 : index
    %get3A_222 = tpu.vector_load %arg5[%get3A_220, %get3A_221] {strides = array<i32>} : memref<2x256xf32, #tpu.memory_space<vmem>>, vector<1x16xf32>,
    %get3A_223 = vector.shape_cast %get3A_222 : vector<1x16xf32> to vector<16xf32>
    %mul3A_224 = vector.broadcast %squeeze3A_218 : f32 to vector<16xf32>
    %mul3A_225 = arith.mulf %get3A_223, %mul3A_224 : vector<16xf32>
    %swap3A_226 = arith.constant 1 : i32
    %swap3A_227 = arith.index_cast %swap3A_226 : i32 to index
    %swap3A_228 = arith.constant 0 : index
    %swap3A_229 = tpu.vector_load %arg5[%swap3A_227, %swap3A_228] {strides = array<i32>} : memref<2x256xf32, #tpu.memory_space<vmem>>, vector<1x16xf32>,
    %swap3A_230 = vector.shape_cast %swap3A_229 : vector<1x16xf32> to vector<16xf32>
    %swap3A_231 = vector.shape_cast %mul3A_225 : vector<16xf32> to vector<1x16xf32>
    tpu.vector_store %arg5[%swap3A_227, %swap3A_228], %swap3A_231 {strides = array<i32>} : memref<2x256xf32, #tpu.memory_space<vmem>>, vector<1x16xf32>,
    %get3A_232 = arith.constant 1 : i32
    %get3A_233 = arith.index_cast %get3A_232 : i32 to index
    %get3A_234 = arith.constant 16 : index
    %get3A_235 = tpu.vector_load %arg5[%get3A_233, %get3A_234] {strides = array<i32>} : memref<2x256xf32, #tpu.memory_space<vmem>>, vector<1x16xf32>,
    %get3A_236 = vector.shape_cast %get3A_235 : vector<1x16xf32> to vector<16xf32>
    %mul3A_237 = vector.broadcast %squeeze3A_218 : f32 to vector<16xf32>
    %mul3A_238 = arith.mulf %get3A_236, %mul3A_237 : vector<16xf32>
    %swap3A_239 = arith.constant 1 : i32
    %swap3A_240 = arith.index_cast %swap3A_239 : i32 to index
    %swap3A_241 = arith.constant 16 : index
    %swap3A_242 = tpu.vector_load %arg5[%swap3A_240, %swap3A_241] {strides = array<i32>} : memref<2x256xf32, #tpu.memory_space<vmem>>, vector<1x16xf32>,
    %swap3A_243 = vector.shape_cast %swap3A_242 : vector<1x16xf32> to vector<16xf32>
    %swap3A_244 = vector.shape_cast %mul3A_238 : vector<16xf32> to vector<1x16xf32>
    tpu.vector_store %arg5[%swap3A_240, %swap3A_241], %swap3A_244 {strides = array<i32>} : memref<2x256xf32, #tpu.memory_space<vmem>>, vector<1x16xf32>,
    %get3A_245 = arith.constant 1 : i32
    %get3A_246 = arith.index_cast %get3A_245 : i32 to index
    %get3A_247 = arith.constant 32 : index
    %get3A_248 = tpu.vector_load %arg5[%get3A_246, %get3A_247] {strides = array<i32>} : memref<2x256xf32, #tpu.memory_space<vmem>>, vector<1x16xf32>,
    %get3A_249 = vector.shape_cast %get3A_248 : vector<1x16xf32> to vector<16xf32>
    %mul3A_250 = vector.broadcast %squeeze3A_218 : f32 to vector<16xf32>
    %mul3A_251 = arith.mulf %get3A_249, %mul3A_250 : vector<16xf32>
    %swap3A_252 = arith.constant 1 : i32
    %swap3A_253 = arith.index_cast %swap3A_252 : i32 to index
    %swap3A_254 = arith.constant 32 : index
    %swap3A_255 = tpu.vector_load %arg5[%swap3A_253, %swap3A_254] {strides = array<i32>} : memref<2x256xf32, #tpu.memory_space<vmem>>, vector<1x16xf32>,
    %swap3A_256 = vector.shape_cast %swap3A_255 : vector<1x16xf32> to vector<16xf32>
    %swap3A_257 = vector.shape_cast %mul3A_251 : vector<16xf32> to vector<1x16xf32>
    tpu.vector_store %arg5[%swap3A_253, %swap3A_254], %swap3A_257 {strides = array<i32>} : memref<2x256xf32, #tpu.memory_space<vmem>>, vector<1x16xf32>,
    %get3A_258 = arith.constant 1 : i32
    %get3A_259 = arith.index_cast %get3A_258 : i32 to index
    %get3A_260 = arith.constant 48 : index
    %get3A_261 = tpu.vector_load %arg5[%get3A_259, %get3A_260] {strides = array<i32>} : memref<2x256xf32, #tpu.memory_space<vmem>>, vector<1x16xf32>,
    %get3A_262 = vector.shape_cast %get3A_261 : vector<1x16xf32> to vector<16xf32>
    %mul3A_263 = vector.broadcast %squeeze3A_218 : f32 to vector<16xf32>
    %mul3A_264 = arith.mulf %get3A_262, %mul3A_263 : vector<16xf32>
    %swap3A_265 = arith.constant 1 : i32
    %swap3A_266 = arith.index_cast %swap3A_265 : i32 to index
    %swap3A_267 = arith.constant 48 : index
    %swap3A_268 = tpu.vector_load %arg5[%swap3A_266, %swap3A_267] {strides = array<i32>} : memref<2x256xf32, #tpu.memory_space<vmem>>, vector<1x16xf32>,
    %swap3A_269 = vector.shape_cast %swap3A_268 : vector<1x16xf32> to vector<16xf32>
    %swap3A_270 = vector.shape_cast %mul3A_264 : vector<16xf32> to vector<1x16xf32>
    tpu.vector_store %arg5[%swap3A_266, %swap3A_267], %swap3A_270 {strides = array<i32>} : memref<2x256xf32, #tpu.memory_space<vmem>>, vector<1x16xf32>,
    %get3A_271 = arith.constant 1 : i32
    %get3A_272 = arith.index_cast %get3A_271 : i32 to index
    %get3A_273 = arith.constant 64 : index
    %get3A_274 = tpu.vector_load %arg5[%get3A_272, %get3A_273] {strides = array<i32>} : memref<2x256xf32, #tpu.memory_space<vmem>>, vector<1x16xf32>,
    %get3A_275 = vector.shape_cast %get3A_274 : vector<1x16xf32> to vector<16xf32>
    %mul3A_276 = vector.broadcast %squeeze3A_218 : f32 to vector<16xf32>
    %mul3A_277 = arith.mulf %get3A_275, %mul3A_276 : vector<16xf32>
    %swap3A_278 = arith.constant 1 : i32
    %swap3A_279 = arith.index_cast %swap3A_278 : i32 to index
    %swap3A_280 = arith.constant 64 : index
    %swap3A_281 = tpu.vector_load %arg5[%swap3A_279, %swap3A_280] {strides = array<i32>} : memref<2x256xf32, #tpu.memory_space<vmem>>, vector<1x16xf32>,
    %swap3A_282 = vector.shape_cast %swap3A_281 : vector<1x16xf32> to vector<16xf32>
    %swap3A_283 = vector.shape_cast %mul3A_277 : vector<16xf32> to vector<1x16xf32>
    tpu.vector_store %arg5[%swap3A_279, %swap3A_280], %swap3A_283 {strides = array<i32>} : memref<2x256xf32, #tpu.memory_space<vmem>>, vector<1x16xf32>,
    %get3A_284 = arith.constant 1 : i32
    %get3A_285 = arith.index_cast %get3A_284 : i32 to index
    %get3A_286 = arith.constant 80 : index
    %get3A_287 = tpu.vector_load %arg5[%get3A_285, %get3A_286] {strides = array<i32>} : memref<2x256xf32, #tpu.memory_space<vmem>>, vector<1x16xf32>,
    %get3A_288 = vector.shape_cast %get3A_287 : vector<1x16xf32> to vector<16xf32>
    %mul3A_289 = vector.broadcast %squeeze3A_218 : f32 to vector<16xf32>
    %mul3A_290 = arith.mulf %get3A_288, %mul3A_289 : vector<16xf32>
    %swap3A_291 = arith.constant 1 : i32
    %swap3A_292 = arith.index_cast %swap3A_291 : i32 to index
    %swap3A_293 = arith.constant 80 : index
    %swap3A_294 = tpu.vector_load %arg5[%swap3A_292, %swap3A_293] {strides = array<i32>} : memref<2x256xf32, #tpu.memory_space<vmem>>, vector<1x16xf32>,
    %swap3A_295 = vector.shape_cast %swap3A_294 : vector<1x16xf32> to vector<16xf32>
    %swap3A_296 = vector.shape_cast %mul3A_290 : vector<16xf32> to vector<1x16xf32>
    tpu.vector_store %arg5[%swap3A_292, %swap3A_293], %swap3A_296 {strides = array<i32>} : memref<2x256xf32, #tpu.memory_space<vmem>>, vector<1x16xf32>,
    %get3A_297 = arith.constant 1 : i32
    %get3A_298 = arith.index_cast %get3A_297 : i32 to index
    %get3A_299 = arith.constant 96 : index
    %get3A_300 = tpu.vector_load %arg5[%get3A_298, %get3A_299] {strides = array<i32>} : memref<2x256xf32, #tpu.memory_space<vmem>>, vector<1x16xf32>,
    %get3A_301 = vector.shape_cast %get3A_300 : vector<1x16xf32> to vector<16xf32>
    %mul3A_302 = vector.broadcast %squeeze3A_218 : f32 to vector<16xf32>
    %mul3A_303 = arith.mulf %get3A_301, %mul3A_302 : vector<16xf32>
    %swap3A_304 = arith.constant 1 : i32
    %swap3A_305 = arith.index_cast %swap3A_304 : i32 to index
    %swap3A_306 = arith.constant 96 : index
    %swap3A_307 = tpu.vector_load %arg5[%swap3A_305, %swap3A_306] {strides = array<i32>} : memref<2x256xf32, #tpu.memory_space<vmem>>, vector<1x16xf32>,
    %swap3A_308 = vector.shape_cast %swap3A_307 : vector<1x16xf32> to vector<16xf32>
    %swap3A_309 = vector.shape_cast %mul3A_303 : vector<16xf32> to vector<1x16xf32>
    tpu.vector_store %arg5[%swap3A_305, %swap3A_306], %swap3A_309 {strides = array<i32>} : memref<2x256xf32, #tpu.memory_space<vmem>>, vector<1x16xf32>,
    %get3A_310 = arith.constant 1 : i32
    %get3A_311 = arith.index_cast %get3A_310 : i32 to index
    %get3A_312 = arith.constant 112 : index
    %get3A_313 = tpu.vector_load %arg5[%get3A_311, %get3A_312] {strides = array<i32>} : memref<2x256xf32, #tpu.memory_space<vmem>>, vector<1x16xf32>,
    %get3A_314 = vector.shape_cast %get3A_313 : vector<1x16xf32> to vector<16xf32>
    %mul3A_315 = vector.broadcast %squeeze3A_218 : f32 to vector<16xf32>
    %mul3A_316 = arith.mulf %get3A_314, %mul3A_315 : vector<16xf32>
    %swap3A_317 = arith.constant 1 : i32
    %swap3A_318 = arith.index_cast %swap3A_317 : i32 to index
    %swap3A_319 = arith.constant 112 : index
    %swap3A_320 = tpu.vector_load %arg5[%swap3A_318, %swap3A_319] {strides = array<i32>} : memref<2x256xf32, #tpu.memory_space<vmem>>, vector<1x16xf32>,
    %swap3A_321 = vector.shape_cast %swap3A_320 : vector<1x16xf32> to vector<16xf32>
    %swap3A_322 = vector.shape_cast %mul3A_316 : vector<16xf32> to vector<1x16xf32>
    tpu.vector_store %arg5[%swap3A_318, %swap3A_319], %swap3A_322 {strides = array<i32>} : memref<2x256xf32, #tpu.memory_space<vmem>>, vector<1x16xf32>,
    %get3A_323 = arith.constant 1 : i32
    %get3A_324 = arith.index_cast %get3A_323 : i32 to index
    %get3A_325 = arith.constant 128 : index
    %get3A_326 = tpu.vector_load %arg5[%get3A_324, %get3A_325] {strides = array<i32>} : memref<2x256xf32, #tpu.memory_space<vmem>>, vector<1x16xf32>,
    %get3A_327 = vector.shape_cast %get3A_326 : vector<1x16xf32> to vector<16xf32>
    %mul3A_328 = vector.broadcast %squeeze3A_218 : f32 to vector<16xf32>
    %mul3A_329 = arith.mulf %get3A_327, %mul3A_328 : vector<16xf32>
    %swap3A_330 = arith.constant 1 : i32
    %swap3A_331 = arith.index_cast %swap3A_330 : i32 to index
    %swap3A_332 = arith.constant 128 : index
    %swap3A_333 = tpu.vector_load %arg5[%swap3A_331, %swap3A_332] {strides = array<i32>} : memref<2x256xf32, #tpu.memory_space<vmem>>, vector<1x16xf32>,
    %swap3A_334 = vector.shape_cast %swap3A_333 : vector<1x16xf32> to vector<16xf32>
    %swap3A_335 = vector.shape_cast %mul3A_329 : vector<16xf32> to vector<1x16xf32>
    tpu.vector_store %arg5[%swap3A_331, %swap3A_332], %swap3A_335 {strides = array<i32>} : memref<2x256xf32, #tpu.memory_space<vmem>>, vector<1x16xf32>,
    %get3A_336 = arith.constant 1 : i32
    %get3A_337 = arith.index_cast %get3A_336 : i32 to index
    %get3A_338 = arith.constant 144 : index
    %get3A_339 = tpu.vector_load %arg5[%get3A_337, %get3A_338] {strides = array<i32>} : memref<2x256xf32, #tpu.memory_space<vmem>>, vector<1x16xf32>,
    %get3A_340 = vector.shape_cast %get3A_339 : vector<1x16xf32> to vector<16xf32>
    %mul3A_341 = vector.broadcast %squeeze3A_218 : f32 to vector<16xf32>
    %mul3A_342 = arith.mulf %get3A_340, %mul3A_341 : vector<16xf32>
    %swap3A_343 = arith.constant 1 : i32
    %swap3A_344 = arith.index_cast %swap3A_343 : i32 to index
    %swap3A_345 = arith.constant 144 : index
    %swap3A_346 = tpu.vector_load %arg5[%swap3A_344, %swap3A_345] {strides = array<i32>} : memref<2x256xf32, #tpu.memory_space<vmem>>, vector<1x16xf32>,
    %swap3A_347 = vector.shape_cast %swap3A_346 : vector<1x16xf32> to vector<16xf32>
    %swap3A_348 = vector.shape_cast %mul3A_342 : vector<16xf32> to vector<1x16xf32>
    tpu.vector_store %arg5[%swap3A_344, %swap3A_345], %swap3A_348 {strides = array<i32>} : memref<2x256xf32, #tpu.memory_space<vmem>>, vector<1x16xf32>,
    %get3A_349 = arith.constant 1 : i32
    %get3A_350 = arith.index_cast %get3A_349 : i32 to index
    %get3A_351 = arith.constant 160 : index
    %get3A_352 = tpu.vector_load %arg5[%get3A_350, %get3A_351] {strides = array<i32>} : memref<2x256xf32, #tpu.memory_space<vmem>>, vector<1x16xf32>,
    %get3A_353 = vector.shape_cast %get3A_352 : vector<1x16xf32> to vector<16xf32>
    %mul3A_354 = vector.broadcast %squeeze3A_218 : f32 to vector<16xf32>
    %mul3A_355 = arith.mulf %get3A_353, %mul3A_354 : vector<16xf32>
    %swap3A_356 = arith.constant 1 : i32
    %swap3A_357 = arith.index_cast %swap3A_356 : i32 to index
    %swap3A_358 = arith.constant 160 : index
    %swap3A_359 = tpu.vector_load %arg5[%swap3A_357, %swap3A_358] {strides = array<i32>} : memref<2x256xf32, #tpu.memory_space<vmem>>, vector<1x16xf32>,
    %swap3A_360 = vector.shape_cast %swap3A_359 : vector<1x16xf32> to vector<16xf32>
    %swap3A_361 = vector.shape_cast %mul3A_355 : vector<16xf32> to vector<1x16xf32>
    tpu.vector_store %arg5[%swap3A_357, %swap3A_358], %swap3A_361 {strides = array<i32>} : memref<2x256xf32, #tpu.memory_space<vmem>>, vector<1x16xf32>,
    %get3A_362 = arith.constant 1 : i32
    %get3A_363 = arith.index_cast %get3A_362 : i32 to index
    %get3A_364 = arith.constant 176 : index
    %get3A_365 = tpu.vector_load %arg5[%get3A_363, %get3A_364] {strides = array<i32>} : memref<2x256xf32, #tpu.memory_space<vmem>>, vector<1x16xf32>,
    %get3A_366 = vector.shape_cast %get3A_365 : vector<1x16xf32> to vector<16xf32>
    %mul3A_367 = vector.broadcast %squeeze3A_218 : f32 to vector<16xf32>
    %mul3A_368 = arith.mulf %get3A_366, %mul3A_367 : vector<16xf32>
    %swap3A_369 = arith.constant 1 : i32
    %swap3A_370 = arith.index_cast %swap3A_369 : i32 to index
    %swap3A_371 = arith.constant 176 : index
    %swap3A_372 = tpu.vector_load %arg5[%swap3A_370, %swap3A_371] {strides = array<i32>} : memref<2x256xf32, #tpu.memory_space<vmem>>, vector<1x16xf32>,
    %swap3A_373 = vector.shape_cast %swap3A_372 : vector<1x16xf32> to vector<16xf32>
    %swap3A_374 = vector.shape_cast %mul3A_368 : vector<16xf32> to vector<1x16xf32>
    tpu.vector_store %arg5[%swap3A_370, %swap3A_371], %swap3A_374 {strides = array<i32>} : memref<2x256xf32, #tpu.memory_space<vmem>>, vector<1x16xf32>,
    %get3A_375 = arith.constant 1 : i32
    %get3A_376 = arith.index_cast %get3A_375 : i32 to index
    %get3A_377 = arith.constant 192 : index
    %get3A_378 = tpu.vector_load %arg5[%get3A_376, %get3A_377] {strides = array<i32>} : memref<2x256xf32, #tpu.memory_space<vmem>>, vector<1x16xf32>,
    %get3A_379 = vector.shape_cast %get3A_378 : vector<1x16xf32> to vector<16xf32>
    %mul3A_380 = vector.broadcast %squeeze3A_218 : f32 to vector<16xf32>
    %mul3A_381 = arith.mulf %get3A_379, %mul3A_380 : vector<16xf32>
    %swap3A_382 = arith.constant 1 : i32
    %swap3A_383 = arith.index_cast %swap3A_382 : i32 to index
    %swap3A_384 = arith.constant 192 : index
    %swap3A_385 = tpu.vector_load %arg5[%swap3A_383, %swap3A_384] {strides = array<i32>} : memref<2x256xf32, #tpu.memory_space<vmem>>, vector<1x16xf32>,
    %swap3A_386 = vector.shape_cast %swap3A_385 : vector<1x16xf32> to vector<16xf32>
    %swap3A_387 = vector.shape_cast %mul3A_381 : vector<16xf32> to vector<1x16xf32>
    tpu.vector_store %arg5[%swap3A_383, %swap3A_384], %swap3A_387 {strides = array<i32>} : memref<2x256xf32, #tpu.memory_space<vmem>>, vector<1x16xf32>,
    %get3A_388 = arith.constant 1 : i32
    %get3A_389 = arith.index_cast %get3A_388 : i32 to index
    %get3A_390 = arith.constant 208 : index
    %get3A_391 = tpu.vector_load %arg5[%get3A_389, %get3A_390] {strides = array<i32>} : memref<2x256xf32, #tpu.memory_space<vmem>>, vector<1x16xf32>,
    %get3A_392 = vector.shape_cast %get3A_391 : vector<1x16xf32> to vector<16xf32>
    %mul3A_393 = vector.broadcast %squeeze3A_218 : f32 to vector<16xf32>
    %mul3A_394 = arith.mulf %get3A_392, %mul3A_393 : vector<16xf32>
    %swap3A_395 = arith.constant 1 : i32
    %swap3A_396 = arith.index_cast %swap3A_395 : i32 to index
    %swap3A_397 = arith.constant 208 : index
    %swap3A_398 = tpu.vector_load %arg5[%swap3A_396, %swap3A_397] {strides = array<i32>} : memref<2x256xf32, #tpu.memory_space<vmem>>, vector<1x16xf32>,
    %swap3A_399 = vector.shape_cast %swap3A_398 : vector<1x16xf32> to vector<16xf32>
    %swap3A_400 = vector.shape_cast %mul3A_394 : vector<16xf32> to vector<1x16xf32>
    tpu.vector_store %arg5[%swap3A_396, %swap3A_397], %swap3A_400 {strides = array<i32>} : memref<2x256xf32, #tpu.memory_space<vmem>>, vector<1x16xf32>,
    %get3A_401 = arith.constant 1 : i32
    %get3A_402 = arith.index_cast %get3A_401 : i32 to index
    %get3A_403 = arith.constant 224 : index
    %get3A_404 = tpu.vector_load %arg5[%get3A_402, %get3A_403] {strides = array<i32>} : memref<2x256xf32, #tpu.memory_space<vmem>>, vector<1x16xf32>,
    %get3A_405 = vector.shape_cast %get3A_404 : vector<1x16xf32> to vector<16xf32>
    %mul3A_406 = vector.broadcast %squeeze3A_218 : f32 to vector<16xf32>
    %mul3A_407 = arith.mulf %get3A_405, %mul3A_406 : vector<16xf32>
    %swap3A_408 = arith.constant 1 : i32
    %swap3A_409 = arith.index_cast %swap3A_408 : i32 to index
    %swap3A_410 = arith.constant 224 : index
    %swap3A_411 = tpu.vector_load %arg5[%swap3A_409, %swap3A_410] {strides = array<i32>} : memref<2x256xf32, #tpu.memory_space<vmem>>, vector<1x16xf32>,
    %swap3A_412 = vector.shape_cast %swap3A_411 : vector<1x16xf32> to vector<16xf32>
    %swap3A_413 = vector.shape_cast %mul3A_407 : vector<16xf32> to vector<1x16xf32>
    tpu.vector_store %arg5[%swap3A_409, %swap3A_410], %swap3A_413 {strides = array<i32>} : memref<2x256xf32, #tpu.memory_space<vmem>>, vector<1x16xf32>,
    %get3A_414 = arith.constant 1 : i32
    %get3A_415 = arith.index_cast %get3A_414 : i32 to index
    %get3A_416 = arith.constant 240 : index
    %get3A_417 = tpu.vector_load %arg5[%get3A_415, %get3A_416] {strides = array<i32>} : memref<2x256xf32, #tpu.memory_space<vmem>>, vector<1x16xf32>,
    %get3A_418 = vector.shape_cast %get3A_417 : vector<1x16xf32> to vector<16xf32>
    %mul3A_419 = vector.broadcast %squeeze3A_218 : f32 to vector<16xf32>
    %mul3A_420 = arith.mulf %get3A_418, %mul3A_419 : vector<16xf32>
    %swap3A_421 = arith.constant 1 : i32
    %swap3A_422 = arith.index_cast %swap3A_421 : i32 to index
    %swap3A_423 = arith.constant 240 : index
    %swap3A_424 = tpu.vector_load %arg5[%swap3A_422, %swap3A_423] {strides = array<i32>} : memref<2x256xf32, #tpu.memory_space<vmem>>, vector<1x16xf32>,
    %swap3A_425 = vector.shape_cast %swap3A_424 : vector<1x16xf32> to vector<16xf32>
    %swap3A_426 = vector.shape_cast %mul3A_420 : vector<16xf32> to vector<1x16xf32>
    tpu.vector_store %arg5[%swap3A_422, %swap3A_423], %swap3A_426 {strides = array<i32>} : memref<2x256xf32, #tpu.memory_space<vmem>>, vector<1x16xf32>,
    "tpu.region"() ({
      %run_scoped3A = tpu.sem_alloc : memref<!tpu.dma_semaphore, #tpu.memory_space<semaphore_mem>>
      %dma_start3A = arith.constant 0 : i32
      %dma_start3A_427 = tpu.memref_slice %arg4[%mul3A_2, %dma_start3A] : memref<64x256xf32, #tpu.memory_space<hbm>> -> memref<2x256xf32, #tpu.memory_space<hbm>>
      %dma_start3A_428 = arith.constant 0 : i32
      %dma_start3A_429 = tpu.memref_slice %arg4[%mul3A_2, %dma_start3A_428] : memref<64x256xf32, #tpu.memory_space<hbm>> -> memref<2x256xf32, #tpu.memory_space<hbm>>
      tpu.enqueue_dma source(%arg5 : memref<2x256xf32, #tpu.memory_space<vmem>>) target(%dma_start3A_429 : memref<2x256xf32, #tpu.memory_space<hbm>>) target_semaphore(%run_scoped3A : memref<!tpu.dma_semaphore, #tpu.memory_space<semaphore_mem>>)
      %dma_wait3A = arith.constant 0 : i32
      %dma_wait3A_430 = tpu.memref_slice %arg4[%mul3A_2, %dma_wait3A] : memref<64x256xf32, #tpu.memory_space<hbm>> -> memref<2x256xf32, #tpu.memory_space<hbm>>
      %dma_wait3A_431 = arith.constant 0 : i32
      %dma_wait3A_432 = tpu.memref_slice %arg4[%mul3A_2, %dma_wait3A_431] : memref<64x256xf32, #tpu.memory_space<hbm>> -> memref<2x256xf32, #tpu.memory_space<hbm>>
      tpu.wait_dma2 semaphore(%run_scoped3A : memref<!tpu.dma_semaphore, #tpu.memory_space<semaphore_mem>>) src(%arg5 : memref<2x256xf32, #tpu.memory_space<vmem>>) dst(%dma_wait3A_432 : memref<2x256xf32, #tpu.memory_space<hbm>>)
      tpu.yield
    }) : () -> ()
    return
  }
}

module attributes {stable_mosaic.version = 14 : i64} {
  func.func @_fused_body(%arg0: i32, %arg1: memref<1792x256xf32, #tpu.memory_space<vmem>>, %arg2: memref<1x1x1792xi32, #tpu.memory_space<vmem>>, %arg3: memref<256x256xf32, #tpu.memory_space<vmem>>, %arg4: memref<1x256xf32, #tpu.memory_space<vmem>>, %arg5: memref<1x256xf32, #tpu.memory_space<vmem>>, %arg6: memref<1x1xf32, #tpu.memory_space<vmem>>, %arg7: memref<64x256xf32, #tpu.memory_space<vmem>>, %arg8: memref<64x128xf32, #tpu.memory_space<vmem>>) attributes {dimension_semantics = [#tpu.dimension_semantics<arbitrary>], iteration_bounds = array<i64: 28>, scalar_prefetch = 0 : i64, scratch_operands = 0 : i64, tpu.core_type = #tpu.core_type<tc>, window_params = [{transform_indices = @transform_0, window_bounds = array<i64: 1792, 256>}, {transform_indices = @transform_1, window_bounds = array<i64: 1, 1, 1792>}, {pipeline_mode = #tpu.pipeline_mode<synchronous>, transform_indices = @transform_2, window_bounds = array<i64: 256, 256>}, {pipeline_mode = #tpu.pipeline_mode<synchronous>, transform_indices = @transform_3, window_bounds = array<i64: 1, 256>}, {pipeline_mode = #tpu.pipeline_mode<synchronous>, transform_indices = @transform_4, window_bounds = array<i64: 1, 256>}, {pipeline_mode = #tpu.pipeline_mode<synchronous>, transform_indices = @transform_5, window_bounds = array<i64: 1, 1>}, {pipeline_mode = #tpu.pipeline_mode<synchronous>, transform_indices = @transform_6, window_bounds = array<i64: 64, 256>}, {pipeline_mode = #tpu.pipeline_mode<synchronous>, transform_indices = @transform_7, window_bounds = array<i64: 64, 128>}]} {
    %get3A = arith.constant 0 : index
    %get3A_0 = arith.constant 0 : index
    %get3A_1 = vector.load %arg1[%get3A, %get3A_0] : memref<1792x256xf32, #tpu.memory_space<vmem>>, vector<1792x256xf32>
    %get3A_2 = arith.constant 0 : index
    %get3A_3 = arith.constant 0 : index
    %get3A_4 = vector.load %arg3[%get3A_2, %get3A_3] : memref<256x256xf32, #tpu.memory_space<vmem>>, vector<256x256xf32>
    %dot_general3A = arith.constant dense<0.000000e+00> : vector<1792x256xf32>
    %dot_general3A_5 = tpu.matmul %get3A_1, %get3A_4, %dot_general3A {dimension_numbers = #tpu.dot_dimension_numbers<[1], [0], [0], [1], [0, 0, 1, 1], [], []>, transpose_lhs_hint = false} : vector<1792x256xf32>, vector<256x256xf32>, vector<1792x256xf32> -> vector<1792x256xf32>
    %get3A_6 = arith.constant 0 : index
    %get3A_7 = arith.constant 0 : index
    %get3A_8 = vector.load %arg4[%get3A_6, %get3A_7] : memref<1x256xf32, #tpu.memory_space<vmem>>, vector<1x256xf32>
    %add3A = vector.broadcast %get3A_8 : vector<1x256xf32> to vector<1792x256xf32>
    %add3A_9 = arith.addf %dot_general3A_5, %add3A : vector<1792x256xf32>
    %tanh3A = math.tanh %add3A_9 : vector<1792x256xf32>
    %get3A_10 = arith.constant 0 : index
    %get3A_11 = arith.constant 0 : index
    %get3A_12 = vector.load %arg5[%get3A_10, %get3A_11] : memref<1x256xf32, #tpu.memory_space<vmem>>, vector<1x256xf32>
    %mul3A = vector.broadcast %get3A_12 : vector<1x256xf32> to vector<1792x256xf32>
    %mul3A_13 = arith.mulf %tanh3A, %mul3A : vector<1792x256xf32>
    %reduce_sum3A = arith.constant dense<0.000000e+00> : vector<1792xf32>
    %reduce_sum3A_14 = vector.multi_reduction <add>, %mul3A_13, %reduce_sum3A [1] : vector<1792x256xf32> to vector<1792xf32>
    %get3A_15 = arith.constant 0 : index
    %get3A_16 = arith.constant 0 : index
    %get3A_17 = vector.load %arg6[%get3A_15, %get3A_16] : memref<1x1xf32, #tpu.memory_space<vmem>>, vector<1x1xf32>
    %get3A_18 = vector.extract %get3A_17[0, 0] : f32 from vector<1x1xf32>
    %add3A_19 = vector.broadcast %get3A_18 : f32 to vector<1792xf32>
    %add3A_20 = arith.addf %reduce_sum3A_14, %add3A_19 : vector<1792xf32>
    %iota3A = tpu.iota {dimensions = array<i32: 1>} : vector<1x1792xi32>
    %iota3A_21 = vector.shape_cast %iota3A : vector<1x1792xi32> to vector<1792xi32>
    %mul3A_22 = arith.constant 1792 : i32
    %mul3A_23 = arith.muli %arg0, %mul3A_22 : i32
    %add3A_24 = vector.broadcast %mul3A_23 : i32 to vector<1792xi32>
    %add3A_25 = arith.addi %iota3A_21, %add3A_24 : vector<1792xi32>
    %lt3A = arith.constant 50000 : i32
    %lt3A_26 = vector.broadcast %lt3A : i32 to vector<1792xi32>
    %lt3A_27 = arith.cmpi slt, %add3A_25, %lt3A_26 : vector<1792xi32>
    %exp3A = math.exp %add3A_20 : vector<1792xf32>
    %jit3A = arith.constant 0.000000e+00 : f32
    %broadcast_in_dim3A = vector.broadcast %jit3A : f32 to vector<1792xf32>
    %select_n3A = arith.select %lt3A_27, %exp3A, %broadcast_in_dim3A : vector<1792xi1>, vector<1792xf32>
    %get3A_28 = arith.constant 0 : index
    %get3A_29 = arith.constant 0 : index
    %get3A_30 = arith.constant 0 : index
    %get3A_31 = vector.load %arg2[%get3A_28, %get3A_29, %get3A_30] : memref<1x1x1792xi32, #tpu.memory_space<vmem>>, vector<1x1x1792xi32>
    %get3A_32 = vector.shape_cast %get3A_31 : vector<1x1x1792xi32> to vector<1792xi32>
    %iota3A_33 = tpu.iota {dimensions = array<i32: 0>} : vector<64x1792xi32>
    %broadcast_in_dim3A_34 = vector.shape_cast %get3A_32 : vector<1792xi32> to vector<1x1792xi32>
    %eq3A = vector.broadcast %broadcast_in_dim3A_34 : vector<1x1792xi32> to vector<64x1792xi32>
    %eq3A_35 = arith.cmpi eq, %eq3A, %iota3A_33 : vector<64x1792xi32>
    %broadcast_in_dim3A_36 = vector.shape_cast %select_n3A : vector<1792xf32> to vector<1x1792xf32>
    %jit3A_37 = arith.constant 0.000000e+00 : f32
    %broadcast_in_dim3A_38 = vector.shape_cast %broadcast_in_dim3A_36 : vector<1x1792xf32> to vector<1x1792xf32>
    %broadcast_in_dim3A_39 = vector.broadcast %broadcast_in_dim3A_38 : vector<1x1792xf32> to vector<64x1792xf32>
    %broadcast_in_dim3A_40 = vector.broadcast %jit3A_37 : f32 to vector<64x1792xf32>
    %select_n3A_41 = arith.select %eq3A_35, %broadcast_in_dim3A_39, %broadcast_in_dim3A_40 : vector<64x1792xi1>, vector<64x1792xf32>
    %eq3A_42 = arith.constant 0 : i32
    %eq3A_43 = arith.cmpi eq, %arg0, %eq3A_42 : i32
    %convert_element_type3A = arith.extui %eq3A_43 : i1 to i32
    %cond3A = arith.constant 0 : i32
    %cond3A_44 = arith.cmpi ne, %convert_element_type3A, %cond3A : i32
    scf.if %cond3A_44 {
      %broadcast_in_dim3A_73 = arith.constant 0.000000e+00 : f32
      %broadcast_in_dim3A_74 = vector.broadcast %broadcast_in_dim3A_73 : f32 to vector<64x256xf32>
      %swap3A_75 = arith.constant 0 : index
      %swap3A_76 = arith.constant 0 : index
      %swap3A_77 = vector.load %arg7[%swap3A_75, %swap3A_76] : memref<64x256xf32, #tpu.memory_space<vmem>>, vector<64x256xf32>
      tpu.vector_store %arg7[%swap3A_75, %swap3A_76], %broadcast_in_dim3A_74 {strides = array<i32>} : memref<64x256xf32, #tpu.memory_space<vmem>>, vector<64x256xf32>,
      %broadcast_in_dim3A_78 = arith.constant 0.000000e+00 : f32
      %broadcast_in_dim3A_79 = vector.broadcast %broadcast_in_dim3A_78 : f32 to vector<64x128xf32>
      %swap3A_80 = arith.constant 0 : index
      %swap3A_81 = arith.constant 0 : index
      %swap3A_82 = vector.load %arg8[%swap3A_80, %swap3A_81] : memref<64x128xf32, #tpu.memory_space<vmem>>, vector<64x128xf32>
      tpu.vector_store %arg8[%swap3A_80, %swap3A_81], %broadcast_in_dim3A_79 {strides = array<i32>} : memref<64x128xf32, #tpu.memory_space<vmem>>, vector<64x128xf32>,
    } else {
    }
    %broadcast_in_dim3A_45 = vector.shape_cast %add3A_25 : vector<1792xi32> to vector<1792x1xi32>
    %lt3A_46 = arith.constant 50000 : i32
    %lt3A_47 = vector.broadcast %lt3A_46 : i32 to vector<1792x1xi32>
    %lt3A_48 = arith.cmpi slt, %broadcast_in_dim3A_45, %lt3A_47 : vector<1792x1xi32>
    %jit3A_49 = arith.constant 0.000000e+00 : f32
    %broadcast_in_dim3A_50 = vector.shape_cast %lt3A_48 : vector<1792x1xi1> to vector<1792x1xi1>
    %broadcast_in_dim3A_51 = vector.broadcast %broadcast_in_dim3A_50 : vector<1792x1xi1> to vector<1792x256xi1>
    %broadcast_in_dim3A_52 = vector.broadcast %jit3A_49 : f32 to vector<1792x256xf32>
    %select_n3A_53 = arith.select %broadcast_in_dim3A_51, %get3A_1, %broadcast_in_dim3A_52 : vector<1792x256xi1>, vector<1792x256xf32>
    %get3A_54 = arith.constant 0 : index
    %get3A_55 = arith.constant 0 : index
    %get3A_56 = vector.load %arg7[%get3A_54, %get3A_55] : memref<64x256xf32, #tpu.memory_space<vmem>>, vector<64x256xf32>
    %dot_general3A_57 = arith.constant dense<0.000000e+00> : vector<64x256xf32>
    %dot_general3A_58 = tpu.matmul %select_n3A_41, %select_n3A_53, %dot_general3A_57 {dimension_numbers = #tpu.dot_dimension_numbers<[1], [0], [0], [1], [0, 0, 1, 1], [], []>, transpose_lhs_hint = false} : vector<64x1792xf32>, vector<1792x256xf32>, vector<64x256xf32> -> vector<64x256xf32>
    %add3A_59 = arith.addf %get3A_56, %dot_general3A_58 : vector<64x256xf32>
    %swap3A = arith.constant 0 : index
    %swap3A_60 = arith.constant 0 : index
    %swap3A_61 = vector.load %arg7[%swap3A, %swap3A_60] : memref<64x256xf32, #tpu.memory_space<vmem>>, vector<64x256xf32>
    tpu.vector_store %arg7[%swap3A, %swap3A_60], %add3A_59 {strides = array<i32>} : memref<64x256xf32, #tpu.memory_space<vmem>>, vector<64x256xf32>,
    %get3A_62 = arith.constant 0 : index
    %get3A_63 = arith.constant 0 : index
    %get3A_64 = vector.load %arg8[%get3A_62, %get3A_63] : memref<64x128xf32, #tpu.memory_space<vmem>>, vector<64x128xf32>
    %reduce_sum3A_65 = arith.constant dense<0.000000e+00> : vector<64xf32>
    %reduce_sum3A_66 = vector.multi_reduction <add>, %select_n3A_41, %reduce_sum3A_65 [1] : vector<64x1792xf32> to vector<64xf32>
    %broadcast_in_dim3A_67 = vector.shape_cast %reduce_sum3A_66 : vector<64xf32> to vector<64x1xf32>
    %add3A_68 = vector.broadcast %broadcast_in_dim3A_67 : vector<64x1xf32> to vector<64x128xf32>
    %add3A_69 = arith.addf %get3A_64, %add3A_68 : vector<64x128xf32>
    %swap3A_70 = arith.constant 0 : index
    %swap3A_71 = arith.constant 0 : index
    %swap3A_72 = vector.load %arg8[%swap3A_70, %swap3A_71] : memref<64x128xf32, #tpu.memory_space<vmem>>, vector<64x128xf32>
    tpu.vector_store %arg8[%swap3A_70, %swap3A_71], %add3A_69 {strides = array<i32>} : memref<64x128xf32, #tpu.memory_space<vmem>>, vector<64x128xf32>,
    return
  }
  func.func @transform_0(%arg0: i32) -> (i32, i32) {
    %c0_i32 = arith.constant 0 : i32
    %c0_i32_0 = arith.constant 0 : i32
    return %arg0, %c0_i32 : i32, i32
  }
  func.func @transform_1(%arg0: i32) -> (i32, i32, i32) {
    %c0_i32 = arith.constant 0 : i32
    %c0_i32_0 = arith.constant 0 : i32
    %c0_i32_1 = arith.constant 0 : i32
    return %arg0, %c0_i32, %c0_i32_0 : i32, i32, i32
  }
  func.func @transform_2(%arg0: i32) -> (i32, i32) {
    %c0_i32 = arith.constant 0 : i32
    %c0_i32_0 = arith.constant 0 : i32
    %c0_i32_1 = arith.constant 0 : i32
    return %c0_i32, %c0_i32_0 : i32, i32
  }
  func.func @transform_3(%arg0: i32) -> (i32, i32) {
    %c0_i32 = arith.constant 0 : i32
    %c0_i32_0 = arith.constant 0 : i32
    %c0_i32_1 = arith.constant 0 : i32
    return %c0_i32, %c0_i32_0 : i32, i32
  }
  func.func @transform_4(%arg0: i32) -> (i32, i32) {
    %c0_i32 = arith.constant 0 : i32
    %c0_i32_0 = arith.constant 0 : i32
    %c0_i32_1 = arith.constant 0 : i32
    return %c0_i32, %c0_i32_0 : i32, i32
  }
  func.func @transform_5(%arg0: i32) -> (i32, i32) {
    %c0_i32 = arith.constant 0 : i32
    %c0_i32_0 = arith.constant 0 : i32
    %c0_i32_1 = arith.constant 0 : i32
    return %c0_i32, %c0_i32_0 : i32, i32
  }
  func.func @transform_6(%arg0: i32) -> (i32, i32) {
    %c0_i32 = arith.constant 0 : i32
    %c0_i32_0 = arith.constant 0 : i32
    %c0_i32_1 = arith.constant 0 : i32
    return %c0_i32, %c0_i32_0 : i32, i32
  }
  func.func @transform_7(%arg0: i32) -> (i32, i32) {
    %c0_i32 = arith.constant 0 : i32
    %c0_i32_0 = arith.constant 0 : i32
    %c0_i32_1 = arith.constant 0 : i32
    return %c0_i32, %c0_i32_0 : i32, i32
  }
}

</mosaic_0001>

<sc_bundles>
// kernel: kernel.4.cloned.1.call-start
scs
__scs_entry_jumppad:
0x0: {  	(pc) =	sbr.rel $0x88, $3  }
0x1: {  	(tag) =	ssettag $0x0;
	lr =	simm.s32 $0x1  }
0x2: {  	[smem:$0x3F9B] =	sst lr;
	_ =	strace $0xD0000000  }
0x3: {  	_ = 	snop  }
0x4: {  	_ = 	snop  }
0x5: {  	_ = 	snop  }
0x6: {  	_ = 	snop  }
0x7: {  	_ = 	snop  }
__scs_overlays_trampoline_lowered:
0x8: {  	[smem:$0x3FAA] =	sst s0  }
0x9: {  	[smem:$0x3FAB] =	sst s1  }
0xa: {  	[smem:$0x3FAC] =	sst s2  }
0xb: {  	[smem:$0x3FAD] =	sst s3  }
0xc: {  	[smem:$0x3FAE] =	sst s4  }
0xd: {  	[smem:$0x3FAF] =	sst s5  }
0xe: {  	[smem:$0x3FB0] =	sst s6  }
0xf: {  	[smem:$0x3FB1] =	sst s7  }
0x10: {  	[smem:$0x3FB2] =	sst s8  }
0x11: {  	[smem:$0x3FB3] =	sst s9;
	s0 =	simm.s32 @!p0 $0x0  }
0x12: {  	s1 =	sld [smem:$0x3F99];
	s0 =	simm.s32 @p0 $0x1  }
0x13: {  	[smem:$0x3FB4] =	sst s0;
	s0 =	simm.s32 @!p1 $0x0  }
0x14: {  	s2 =	sld [smem:$0x3F98];
	s0 =	simm.s32 @p1 $0x1  }
0x15: {  	[smem:$0x3FB5] =	sst s0;
	s0 =	simm.s32 @!p2 $0x0  }
0x16: {  	s3 =	sld [smem:$0x3FDB];
	s0 =	simm.s32 @p2 $0x1  }
0x17: {  	s4 =	simm.s32 $0x1BF5;
	[smem:$0x3FB7] =	sst s0  }
0x18: {  	s0 =	sld [smem:$0x3F9A];
	_ =	swait.ge [sflag:s4], $0x0  }
0x19: {  	s7 =	sld [smem:$0x3F9B]  }
0x1a: {  	s8 =	sadd.s32 $0xFFFFE003, lr  }
0x1b: {  	s9 =	sadd.s32 $0xFFFFFEF7, lr;
	s5 =	simm.s32 $0xFFFFFFFF;
	p2 =	slt.u32 s8, $0xFFFFF086  }
0x1c: {  	p1 =	slt.u32 s9, $0xF7A;
	s5 =	simm.s32 @!p2 $0x0  }
0x1d: {  	s5 =	simm.s32 @p1 $0x1;
	p0 =	seq.s32 s7, s2  }
0x1e: {  	s7 =	smul.u32 @!p0 $0xF7A, s2;
	p2 =	seq.s32 @!p0 s5, $0x0  }
0x1f: {  	s9 =	smul.u32 $0xF7A, s1;
	s8 =	simm.s32 @!p0 $0x1BF5;
	p2 =	por !p2, p0  }
0x20: {  	[sflag:s8] =	ssyncset.s32 @!p0 $0xFFFFF086;
	s6 =	sadd.s32 @!p0 s3, s7;
	s7 =	simm.s32 @!p0 $0x108  }
0x21: {  	s3 =	sadd.s32 s3, s9;
	s6 =	sadd.s32 @!p0 $0x88, s6;
	s7 =	simm.s32 @p2 $0x1082  }
0x22: {  	[simem:s7], [sflag:s8] =	dma.local @!p0 [hbm:s6], $0xF7A  }
0x23: {  	s9 =	sor.u32 $0xD0000000, s2;
	s6 =	simm.s32 $0x108;
	_ =	swait.ge @!p0 [sflag:s8], $0x0  }
0x24: {  	s3 =	sadd.s32 $0x88, s3;
	s6 =	simm.s32 @!p1 $0x1082;
	[sflag:s4] =	ssyncset.s32 $0xFFFFF086  }
0x25: {  	[simem:s6], [sflag:s4] =	dma.local [hbm:s3], $0xF7A  }
0x26: {  	[smem:$0x3F9B] =	sst s1;
	(tag) =	ssettag s2;
	_ =	strace s9  }
0x27: {  	s1 =	sld [smem:$0x3FAB]  }
0x28: {  	s2 =	sld [smem:$0x3FAC]  }
0x29: {  	s4 =	sld [smem:$0x3FAE]  }
0x2a: {  	p0 =	seq.s32 s5, $0x0;
	s5 =	sld [smem:$0x3FAF]  }
0x2b: {  	s6 =	sld [smem:$0x3FB0]  }
0x2c: {  	s7 =	sld [smem:$0x3FB1]  }
0x2d: {  	s3 =	simm.s32 $0x108;
	s8 =	sld [smem:$0x3FB2]  }
0x2e: {  	s3 =	simm.s32 @!p0 $0x1082;
	s9 =	sld [smem:$0x3FB3]  }
0x2f: {  	lr =	sadd.s32 s0, s3;
	s0 =	sld [smem:$0x3FAA]  }
0x30: {  	s3 =	sld [smem:$0x3FAD]  }
0x31: {  	[smem:$0x3FB6] =	sst s10  }
0x32: {  	s10 =	sld [smem:$0x3FB4];
	_ =	sdelay $0x3  }
0x33: {  	p0 =	seq.s32 s10, $0x1;
	s10 =	sld [smem:$0x3FB6];
	_ =	sdelay $0x3  }
0x34: {  	[smem:$0x3FB6] =	sst s10  }
0x35: {  	s10 =	sld [smem:$0x3FB5];
	_ =	sdelay $0x3  }
0x36: {  	p1 =	seq.s32 s10, $0x1;
	s10 =	sld [smem:$0x3FB6];
	_ =	sdelay $0x3  }
0x37: {  	[smem:$0x3FB6] =	sst s10  }
0x38: {  	s10 =	sld [smem:$0x3FB7]  }
0x39: {  	_ = 	snop;
	(pc) =	sbr.ind lr, $3  }
0x3a: {  	_ = 	snop  }
0x3b: {  	_ = 	snop  }
0x3c: {  	p2 =	seq.s32 s10, $0x1;
	s10 =	sld [smem:$0x3FB6]  }
0x3d: {  	_ =	shalt  }
0x3e: {  	_ =	shalt  }
0x3f: {  	_ =	shalt  }
0x40: {  	_ =	shalt  }
0x41: {  	_ =	shalt  }
0x42: {  	_ =	shalt  }
0x43: {  	_ =	shalt  }
0x44: {  	_ =	shalt  }
0x45: {  	_ =	shalt  }
0x46: {  	_ =	shalt  }
0x47: {  	_ =	shalt  }
0x48: {  	_ =	shalt  }
0x49: {  	_ =	shalt  }
0x4a: {  	_ =	shalt  }
0x4b: {  	_ =	shalt  }
0x4c: {  	_ =	shalt  }
0x4d: {  	_ =	shalt  }
0x4e: {  	_ =	shalt  }
0x4f: {  	_ =	shalt  }
0x50: {  	_ =	shalt  }
0x51: {  	_ =	shalt  }
0x52: {  	_ =	shalt  }
0x53: {  	_ =	shalt  }
0x54: {  	_ =	shalt  }
0x55: {  	_ =	shalt  }
0x56: {  	_ =	shalt  }
0x57: {  	_ =	shalt  }
0x58: {  	_ =	shalt  }
0x59: {  	_ =	shalt  }
0x5a: {  	_ =	shalt  }
0x5b: {  	_ =	shalt  }
0x5c: {  	_ =	shalt  }
0x5d: {  	_ =	shalt  }
0x5e: {  	_ =	shalt  }
0x5f: {  	_ =	shalt  }
0x60: {  	_ =	shalt  }
0x61: {  	_ =	shalt  }
0x62: {  	_ =	shalt  }
0x63: {  	_ =	shalt  }
0x64: {  	_ =	shalt  }
0x65: {  	_ =	shalt  }
0x66: {  	_ =	shalt  }
0x67: {  	_ =	shalt  }
0x68: {  	_ =	shalt  }
0x69: {  	_ =	shalt  }
0x6a: {  	_ =	shalt  }
0x6b: {  	_ =	shalt  }
0x6c: {  	_ =	shalt  }
0x6d: {  	_ =	shalt  }
0x6e: {  	_ =	shalt  }
0x6f: {  	_ =	shalt  }
0x70: {  	_ =	shalt  }
0x71: {  	_ =	shalt  }
0x72: {  	_ =	shalt  }
0x73: {  	_ =	shalt  }
0x74: {  	_ =	shalt  }
0x75: {  	_ =	shalt  }
0x76: {  	_ =	shalt  }
0x77: {  	_ =	shalt  }
0x78: {  	_ =	shalt  }
0x79: {  	_ =	shalt  }
0x7a: {  	_ =	shalt  }
0x7b: {  	_ =	shalt  }
0x7c: {  	_ =	shalt  }
0x7d: {  	_ =	shalt  }
0x7e: {  	_ =	shalt  }
0x7f: {  	_ =	shalt  }
0x80: {  	_ =	shalt  }
0x81: {  	_ =	shalt  }
0x82: {  	_ =	shalt  }
0x83: {  	_ =	shalt  }
0x84: {  	_ =	shalt  }
0x85: {  	_ =	shalt  }
0x86: {  	_ =	shalt  }
0x87: {  	_ =	shalt  }
.Lfunc_end0:
.L_simem_size_0:
called_computation_lowered:
.L_overlay_start_0:
0x88: {  	s2 =	sld [smem:$0x3FD9]  }
0x89: {  	s3 =	sld [smem:$0x3FFE];
	_ =	sdelay $0x1  }
0x8a: {  	s1 =	srdreg.scid  }
0x8b: {  	s0 =	sand.u32 $0x1, s1  }
0x8c: {  	s17 =	sshll.u32 s0, $0xA;
	s2 =	sadd.s32 s3, s2  }
0x8d: {  	s2 =	sadd.s32 s2, s17  }
0x8e: {  	[smem:$0x3FC2] =	sst s2  }
0x8f: {  	_ = 	snop  }
0x90: {  	s2 =	sld [smem:$0x3FD0];
	(tm) =	ssettm $0x1  }
0x91: {  	s18 =	sld [smem:$0x3FFB];
	_ =	sdelay $0x3  }
0x92: {  	_ =	strace s18  }
0x93: {  	s3 =	sld [smem:$0x3FFC];
	_ =	sdelay $0x3  }
0x94: {  	_ =	strace s3  }
0x95: {  	s3 =	sld [smem:$0x3FFD];
	_ =	sdelay $0x3  }
0x96: {  	_ =	strace s3  }
0x97: {  	_ =	strace $0x8FFFFFFF  }
0x98: {  	s19 =	sld [smem:$0x3FDB];
	_ =	sdelay $0x1  }
0x99: {  	s4 =	simm.s32 $_scs_section_size  }
0x9a: {  	s5 =	simm.s32 $_size__tile_overlayer_lowered;
	s6 =	simm.s32 $_tile_overlayer_lowered  }
0x9b: {  	s22 =	simm.s32 $0x1BFF;
	s21 =	sshll.u32 s6, $0x1;
	s3 =	sadd.s32 s4, s19  }
0x9c: {  	s7 =	simm.s32 $0x0;
	s20 =	sshll.u32 s5, $0x1;
	s5 =	sadd.s32 s21, s3  }
0x9d: {  	[timem:s7], [sflag:s22] =	dma.local [hbm:s5], s20  }
0x9e: {  	_ =	swait.ge [sflag:s22], s20  }
0x9f: {  	s4 =	ssub.s32 $0x0, s20;
	[sflag:s22] =	ssyncset.done $0x0  }
0xa0: {  	[sflag:s22] =	ssyncadd.s32 s4;
	_ =	sdelay $0x1  }
0xa1: {  	s23 =	simm.s32 $0x1B8B  }
0xa2: {  	_ =	swait.ge [sflag:s23], $0x1  }
0xa3: {  	[sflag:s23] =	ssyncset.done $0x0  }
0xa4: {  	s25 =	simm.s32 $0x1B8E;
	s24 =	sld [smem:$0x3FFE];
	[sflag:s23] =	ssyncadd.s32 $0xFFFFFFFF  }
0xa5: {  	s26 =	simm.s32 $execute0_lowered;
	[smem:$0x3FD2] =	sst s25  }
0xa6: {  	s5 =	sshll.u32 s26, $0x1;
	_ =	strace $0x80000046;
	[dreg:$0x1] =	wrdreg $0xFFFFFFFF  }
0xa7: {  	s28 =	simm.s32 $_size_execute0_lowered;
	s3 =	sadd.s32 s3, s5;
	[dreg:$0x0] =	wrdreg $0x0  }
0xa8: {  	s5 =	sshll.u32 s28, $0x1;
	[dreg:$0x2] =	wrdreg s3  }
0xa9: {  	[dreg:$0x3] =	wrdreg s5  }
0xaa: {  	[dreg:$0x4] =	wrdreg $0xC0  }
0xab: {  	_ =	task [dreg:s7], $0x5FFFF  }
0xac: {  	[dreg:$0x1] =	wrdreg $0xFFFFFFFF  }
0xad: {  	[dreg:$0x0] =	wrdreg $0x60  }
0xae: {  	[dreg:$0x2] =	wrdreg s24  }
0xaf: {  	[dreg:$0x3] =	wrdreg s2  }
0xb0: {  	[dreg:$0x4] =	wrdreg $0x9  }
0xb1: {  	_ =	task.clear_ibuf [dreg:s7], $0x5FFFF;
	_ =	strace $0x90000046  }
0xb2: {  	s29 =	simm.s32 $0x9;
	_ =	strace $0x80000048  }
0xb3: {  	_ =	swait.ge [sflag:s29], $0x1  }
0xb4: {  	[sflag:s29] =	ssyncadd.s32 $0xFFFFFFFF  }
0xb5: {  	_ =	strace $0x90000048  }
0xb6: {  	_ =	sfence  }
0xb7: {  	s30 =	sld [smem:$0x0];
	_ =	sdelay $0x2  }
0xb8: {  	s31 =	sshll.u32 s1, $0xD;
	s1 =	sshrl.u32 s1, $0x2  }
0xb9: {  	s3 =	sand.u32 $0x4000, s31;
	s1 =	sadd.s32 s1, s30  }
0xba: {  	s0 =	sor.u32 s3, s0;
	s1 =	sshll.u32 s1, $0x11  }
0xbb: {  	s0 =	sor.u32 s1, s0  }
0xbc: {  	s0 =	sadd.s32 $0x8F2B, s0  }
0xbd: {  	[sflag:s0] =	ssyncadd.remote.s32 $0x1  }
0xbe: {  	_ =	sfence.sel $0xFFFF  }
0xbf: {  	[dreg:$0x0] =	wrdreg $0xFFFFFFFF;
	(pc) =	sbr.abs _section_cstart, $3  }
0xc0: {  	[dreg:$0x1] =	wrdreg $0xFFFFFFFF  }
0xc1: {  	_ =	task.clear_ibuf [dreg:s7], $0x2FFFF;
	_ =	strace $0x9FFFFFFF  }
0xc2: {  	(tm) =	ssettm $0x7FFFFFFF  }
0xc3: {  	_ =	shalt  }
tec
execute0_lowered:
.L_overlay_start_1:
0x0: {  	(tag) =	ssettag $0x1  }
0x1: {  	s1 =	srdreg.scid  }
0x2: {  	s0 =	stileid.u32;
	s6 =	sand.u32 $0x1, s1  }
0x3: {  	s2 =	sshll.u32 s0, $0x1;
	s1 =	sshll.u32 s6, $0x5  }
0x4: {  	s9 =	rddreg [dreg:$0x0];
	s7 =	sor.u32 s2, s1  }
0x5: {  	s11 =	rddreg [dreg:$0x1];
	s31 =	sshll.u32 s0, $0x5;
	s1 =	sshll.u32 s7, $0x5  }
0x6: {  	s4 =	sand.u32 $0x60, s31;
	s2 =	simm.s32 $0x0;
	s3 =	sand.u32 $0x700, s1  }
0x7: {  	s5 =	simm.s32 $0x400;
	[smem:$0x7FF] =	sst s2;
	s12 =	sor.u32 s4, s3  }
0x8: {  	s1 =	rddreg [dreg:$0x2];
	_ =	strace $0x80000047;
	s3 =	sadd.s32 s12, s9  }
0x9: {  	s4 =	simm.s32 $0x100;
	s8 =	sadd.s32 $0xA00, s3;
	s3 =	simm.s32 $0x1  }
0xa: {  	[tilespmem:s2], [sflag:$0x1] =	stream.strided.gather [hbm4b:s8+s4], $0x200, s5, s4, $0x38;
	[tilespmem:$0x280] =	vst v63  }
0xb: {  	_ =	swait.ge [sflag:s3], $0x200  }
0xc: {  	[sflag:s3] =	ssyncset.done $0x0  }
0xd: {  	s10 =	simm.s32 $0x200;
	s9 =	sadd.s32 $0x1200, s9;
	[sflag:s3] =	ssyncadd.s32 $0xFFFFFE00  }
0xe: {  	[tilespmem:s10], [sflag:$0x1] =	stream.linear.gather [hbm4b:s9+s2], $0x40, $0x38;
	[tilespmem:$0x280] =	vst v63  }
0xf: {  	_ =	swait.ge [sflag:s3], $0x40  }
0x10: {  	[sflag:s3] =	ssyncset.done $0x0  }
0x11: {  	[sflag:s3] =	ssyncadd.s32 $0xFFFFFFC0  }
0x12: {  	v4 =	vld [tilespmem:$0x1E0]  }
0x13: {  	v3 =	vld [tilespmem:s7+$0x200]  }
0x14: {  	v0 =	vld [tilespmem:$0x160]  }
0x15: {  	v11 =	vld [tilespmem:$0x140]  }
0x16: {  	v1 =	vld [tilespmem:$0x120]  }
0x17: {  	v6 =	vld [tilespmem:$0x60]  }
0x18: {  	v2 =	vld [tilespmem:$0x70]  }
0x19: {  	v9 =	vld [tilespmem:$0x100]  }
0x1a: {  	v10 =	vld [tilespmem:$0x1F0];
	v5 =	vadd.f32 $1.000000020e-16, v3  }
0x1b: {  	v7 =	vld [tilespmem:$0x0]  }
0x1c: {  	v8 =	vld [tilespmem:$0x20];
	(erf) = vrcp.f32 v5  }
0x1d: {  	s6 =	ssub.s32 $0x2, s6;
	v15 =	vld [tilespmem:$0x10]  }
0x1e: {  	s13 =	sshrl.u32 s6, $0x1;
	v16 =	vld [tilespmem:$0x30]  }
0x1f: {  	s6 =	ssub.s32 s6, s13;
	v14 =	vld [tilespmem:$0x40]  }
0x20: {  	s13 =	smax.u32 s6, $0x1;
	v12 =	vld [tilespmem:$0x110]  }
0x21: {  	p0 =	sne.s32 s13, $0x1;
	v17 =	vld [tilespmem:$0x50]  }
.Ltmp0:
0x22: {  	v20 =	vld [tilespmem:$0x150];
	(pc) =	sbr.rel @!p0 .LBB2_2-.Ltmp0, $4  }
0x23: {  	v13 =	vld [tilespmem:$0x170]  }
0x24: {  	v19 =	vld [tilespmem:$0x130]  }
0x25: {  	v18 =	vld [tilespmem:$0xB0];
	v21 =	vpop (erf)  }
0x26: {  	s6 =	sadd.s32 s11, s12;
	s11 =	sadd.s32 $0xFFFFFFFF, s13;
	v3 =	vld [tilespmem:$0x90];
	v5 =	vbroadcast v21, $0x0  }
.LBB2_1:
0x27: {  	p0 =	sne.s32 s11, $0x1;
	s11 =	sadd.s32 $0xFFFFFFFF, s11;
	v21 =	vbroadcast v21, $0x1;
	v22 =	vld [tilespmem:$0x180]  }
0x28: {  	v16 =	vmul.f32 v16, v5;
	v20 =	vmul.f32 v20, v5;
	v23 =	vld [tilespmem:$0xF0]  }
0x29: {  	v17 =	vmul.f32 v17, v5;
	v13 =	vmul.f32 v13, v5;
	v24 =	vld [tilespmem:$0x190]  }
0x2a: {  	v9 =	vmul.f32 v9, v5;
	v19 =	vmul.f32 v19, v5;
	[tilespmem:$0x150] =	vst v20;
	v20 =	vld [tilespmem:$0x1A0]  }
0x2b: {  	v12 =	vmul.f32 v12, v5;
	[tilespmem:$0x50] =	vst v17;
	v17 =	vmul.f32 v18, v21;
	v18 =	vld [tilespmem:$0xE0]  }
0x2c: {  	v11 =	vmul.f32 v11, v5;
	[tilespmem:$0x130] =	vst v19;
	v19 =	vld [tilespmem:$0xA0];
	v22 =	vmul.f32 v22, v21  }
0x2d: {  	v15 =	vmul.f32 v5, v15;
	[tilespmem:$0xB0] =	vst v17;
	v17 =	vld [tilespmem:$0xC0];
	v23 =	vmul.f32 v23, v21  }
0x2e: {  	v14 =	vmul.f32 v14, v5;
	[tilespmem:$0x180] =	vst v22;
	v22 =	vmul.f32 v24, v21;
	v24 =	vld [tilespmem:$0x1D0]  }
0x2f: {  	v4 =	vmul.f32 v4, v21;
	[tilespmem:$0x10] =	vst v15;
	v15 =	vmul.f32 v20, v21;
	v20 =	vld [tilespmem:$0x1B0]  }
0x30: {  	v10 =	vmul.f32 v10, v21;
	v25 =	vld [tilespmem:$0x80];
	v18 =	vmul.f32 v18, v21;
	[tilespmem:$0x190] =	vst v22  }
0x31: {  	v7 =	vmul.f32 v5, v7;
	v19 =	vmul.f32 v19, v21;
	v22 =	vld [tilespmem:$0xD0];
	[tilespmem:$0x1A0] =	vst v15  }
0x32: {  	v8 =	vmul.f32 v8, v5;
	[tilespmem:$0x40] =	vst v14;
	v14 =	vmul.f32 v17, v21  }
0x33: {  	v6 =	vmul.f32 v6, v5;
	v2 =	vmul.f32 v2, v5;
	[tilespmem:$0xA0] =	vst v19  }
0x34: {  	v3 =	vmul.f32 v3, v21;
	[tilespmem:$0xC0] =	vst v14;
	v14 =	vmul.f32 v20, v21  }
0x35: {  	v15 =	vmul.f32 v24, v21;
	[tilespmem:$0x60] =	vst v6;
	v6 =	vmul.f32 v25, v21  }
0x36: {  	v1 =	vmul.f32 v1, v5;
	[tilespmem:$0x140] =	vst v11;
	v11 =	vmul.f32 v22, v21  }
0x37: {  	v0 =	vmul.f32 v0, v5;
	[tilespmem:$0x1F0] =	vst v10  }
0x38: {  	[tilespmem:$0x30] =	vst v16  }
0x39: {  	[tilespmem:$0x1E0] =	vst v4  }
0x3a: {  	[tilespmem:$0xF0] =	vst v23;
	v4 =	vld [tilespmem:$0x1C0]  }
0x3b: {  	[tilespmem:$0x20] =	vst v8  }
0x3c: {  	[tilespmem:$0x0] =	vst v7  }
0x3d: {  	[tilespmem:$0x1D0] =	vst v15  }
0x3e: {  	[tilespmem:$0x70] =	vst v2  }
0x3f: {  	[tilespmem:$0x90] =	vst v3;
	v2 =	vmul.f32 v4, v21  }
0x40: {  	[tilespmem:$0x110] =	vst v12  }
0x41: {  	[tilespmem:$0x1C0] =	vst v2  }
0x42: {  	[tilespmem:$0x100] =	vst v9  }
0x43: {  	[tilespmem:$0x170] =	vst v13  }
0x44: {  	[tilespmem:$0x1B0] =	vst v14  }
0x45: {  	[tilespmem:$0x120] =	vst v1  }
0x46: {  	[tilespmem:$0xE0] =	vst v18  }
0x47: {  	[tilespmem:$0xD0] =	vst v11  }
0x48: {  	[tilespmem:$0x160] =	vst v0  }
0x49: {  	[tilespmem:$0x80] =	vst v6  }
0x4a: {  	[hbm4b:s6+s4] =	stream.strided.scatter [tilespmem:s2], [sflag:$0x1], $0x200, s5, s4, $0x38;
	[tilespmem:$0x280] =	vst v63  }
0x4b: {  	_ =	swait.ge [sflag:s3], $0x200  }
0x4c: {  	[sflag:s3] =	ssyncset.done $0x0  }
0x4d: {  	[sflag:s3] =	ssyncadd.s32 $0xFFFFFE00  }
0x4e: {  	[tilespmem:s2], [sflag:$0x1] =	stream.strided.gather [hbm4b:s8+s4], $0x200, s5, s4, $0x38;
	[tilespmem:$0x280] =	vst v63  }
0x4f: {  	_ =	swait.ge [sflag:s3], $0x200  }
0x50: {  	[sflag:s3] =	ssyncset.done $0x0  }
0x51: {  	[sflag:s3] =	ssyncadd.s32 $0xFFFFFE00  }
0x52: {  	[tilespmem:s10], [sflag:$0x1] =	stream.linear.gather [hbm4b:s9+s2], $0x40, $0x38;
	[tilespmem:$0x280] =	vst v63  }
0x53: {  	_ =	swait.ge [sflag:s3], $0x40  }
0x54: {  	[sflag:s3] =	ssyncset.done $0x0  }
0x55: {  	[sflag:s3] =	ssyncadd.s32 $0xFFFFFFC0  }
0x56: {  	v4 =	vld [tilespmem:$0x1E0]  }
0x57: {  	v2 =	vld [tilespmem:s7+$0x200]  }
0x58: {  	v0 =	vld [tilespmem:$0x160]  }
0x59: {  	v11 =	vld [tilespmem:$0x140]  }
0x5a: {  	v1 =	vld [tilespmem:$0x120]  }
0x5b: {  	v6 =	vld [tilespmem:$0x60]  }
0x5c: {  	v5 =	vadd.f32 $1.000000020e-16, v2;
	v2 =	vld [tilespmem:$0x70]  }
0x5d: {  	v9 =	vld [tilespmem:$0x100]  }
0x5e: {  	v3 =	vld [tilespmem:$0x90];
	(erf) = vrcp.f32 v5  }
0x5f: {  	v10 =	vld [tilespmem:$0x1F0]  }
0x60: {  	v7 =	vld [tilespmem:$0x0]  }
0x61: {  	v8 =	vld [tilespmem:$0x20]  }
0x62: {  	v15 =	vld [tilespmem:$0x10]  }
0x63: {  	v16 =	vld [tilespmem:$0x30]  }
0x64: {  	v14 =	vld [tilespmem:$0x40]  }
0x65: {  	v12 =	vld [tilespmem:$0x110]  }
.Ltmp1:
0x66: {  	v17 =	vld [tilespmem:$0x50];
	(pc) =	sbr.rel @p0 .LBB2_1-.Ltmp1, $4  }
0x67: {  	v20 =	vld [tilespmem:$0x150];
	v21 =	vpop (erf)  }
0x68: {  	v13 =	vld [tilespmem:$0x170]  }
0x69: {  	v19 =	vld [tilespmem:$0x130]  }
0x6a: {  	v5 =	vbroadcast v21, $0x0;
	v18 =	vld [tilespmem:$0xB0]  }
.LBB2_2:
0x6b: {  	_ = 	snop  }
0x6c: {  	v20 =	vmul.f32 v20, v5  }
0x6d: {  	v17 =	vmul.f32 v17, v5  }
0x6e: {  	v15 =	vmul.f32 v5, v15;
	[tilespmem:$0x150] =	vst v20  }
0x6f: {  	v14 =	vmul.f32 v14, v5;
	[tilespmem:$0x50] =	vst v17  }
0x70: {  	v6 =	vmul.f32 v6, v5;
	[tilespmem:$0x10] =	vst v15  }
0x71: {  	v11 =	vmul.f32 v11, v5;
	[tilespmem:$0x40] =	vst v14  }
0x72: {  	v47 =	vmul.f32 v16, v5;
	[tilespmem:$0x60] =	vst v6  }
0x73: {  	v50 =	vmul.f32 v8, v5;
	[tilespmem:$0x140] =	vst v11  }
0x74: {  	v51 =	vmul.f32 v5, v7;
	[tilespmem:$0x30] =	vst v47  }
0x75: {  	v2 =	vmul.f32 v2, v5;
	[tilespmem:$0x20] =	vst v50  }
0x76: {  	v55 =	vmul.f32 v12, v5;
	[tilespmem:$0x0] =	vst v51  }
0x77: {  	v58 =	vmul.f32 v9, v5;
	[tilespmem:$0x70] =	vst v2  }
0x78: {  	v21 =	vbroadcast v21, $0x1;
	v1 =	vmul.f32 v1, v5;
	[tilespmem:$0x110] =	vst v55  }
0x79: {  	v0 =	vmul.f32 v0, v5;
	[tilespmem:$0x100] =	vst v58  }
0x7a: {  	v10 =	vmul.f32 v10, v21;
	[tilespmem:$0x120] =	vst v1  }
0x7b: {  	v22 =	vld [tilespmem:$0x180];
	v4 =	vmul.f32 v4, v21;
	[tilespmem:$0x160] =	vst v0  }
0x7c: {  	v23 =	vld [tilespmem:$0x190];
	v60 =	vmul.f32 v13, v5;
	[tilespmem:$0x1F0] =	vst v10  }
0x7d: {  	v38 =	vld [tilespmem:$0x1A0];
	v19 =	vmul.f32 v19, v5;
	[tilespmem:$0x1E0] =	vst v4  }
0x7e: {  	v40 =	vld [tilespmem:$0xA0];
	v39 =	vmul.f32 v18, v21;
	[tilespmem:$0x170] =	vst v60  }
0x7f: {  	v42 =	vld [tilespmem:$0xC0];
	v3 =	vmul.f32 v3, v21;
	[tilespmem:$0x130] =	vst v19  }
0x80: {  	v46 =	vld [tilespmem:$0xF0];
	v41 =	vmul.f32 v22, v21;
	[tilespmem:$0xB0] =	vst v39  }
0x81: {  	v48 =	vld [tilespmem:$0x1D0];
	v43 =	vmul.f32 v23, v21;
	[tilespmem:$0x90] =	vst v3  }
0x82: {  	v52 =	vld [tilespmem:$0x1C0];
	v44 =	vmul.f32 v38, v21;
	[tilespmem:$0x180] =	vst v41  }
0x83: {  	v54 =	vld [tilespmem:$0x1B0];
	v18 =	vmul.f32 v40, v21;
	[tilespmem:$0x190] =	vst v43  }
0x84: {  	v56 =	vld [tilespmem:$0xE0];
	v45 =	vmul.f32 v42, v21;
	[tilespmem:$0x1A0] =	vst v44  }
0x85: {  	v59 =	vld [tilespmem:$0xD0];
	v49 =	vmul.f32 v46, v21;
	[tilespmem:$0xA0] =	vst v18  }
0x86: {  	v61 =	vld [tilespmem:$0x80];
	v53 =	vmul.f32 v48, v21;
	[tilespmem:$0xC0] =	vst v45  }
0x87: {  	v57 =	vmul.f32 v52, v21;
	[tilespmem:$0xF0] =	vst v49  }
0x88: {  	v4 =	vmul.f32 v54, v21;
	[tilespmem:$0x1D0] =	vst v53  }
0x89: {  	v2 =	vmul.f32 v56, v21;
	[tilespmem:$0x1C0] =	vst v57  }
0x8a: {  	v62 =	vmul.f32 v59, v21;
	[tilespmem:$0x1B0] =	vst v4  }
0x8b: {  	v63 =	vmul.f32 v61, v21;
	[tilespmem:$0xE0] =	vst v2  }
0x8c: {  	[tilespmem:$0xD0] =	vst v62  }
0x8d: {  	[tilespmem:$0x80] =	vst v63  }
0x8e: {  	[hbm4b:s6+s4] =	stream.strided.scatter [tilespmem:s2], [sflag:$0x1], $0x200, s5, s4, $0x38;
	[tilespmem:$0x280] =	vst v63  }
0x8f: {  	_ =	swait.ge [sflag:s3], $0x200  }
0x90: {  	[sflag:s3] =	ssyncset.done $0x0  }
0x91: {  	[sflag:s3] =	ssyncadd.s32 $0xFFFFFE00  }
0x92: {  	_ =	sfence.sel $0x180000  }
0x93: {  	[bflag:$0x0] =	sbarrier.arrive $0xFFFF  }
0x94: {  	p0 =	sne.s32 s0, $0x0;
	_ =	strace $0x90000047  }
0x95: {  	s0 =	sadd.s32 @!p0 $0x100000, s1;
	[bflag:$0x2] =	sbarrier.arrive $0xFFFF  }
0x96: {  	[sflag:s0] =	ssyncadd.tile.s32 @!p0 $0x1;
	_ =	shalt  }
.Lfunc_end2:
_tile_overlayer_lowered:
.L_overlay_start_2:
0x97: {  	(tag) =	ssettag $0x2  }
0x98: {  	s0 =	rddreg [dreg:$0x0];
	s2 =	stileid.u32  }
0x99: {  	s1 =	rddreg [dreg:$0x1];
	p0 =	sne.s32 s2, $0x0  }
0x9a: {  	s3 =	rddreg [dreg:$0x2];
	[bflag:$0x3] =	sbarrier.arrive $0xFFFF;
	s2 =	simm.s32 @!p0 $0x1C01  }
0x9b: {  	[timem:s3], [sflag:s2] =	dma.local @!p0 [hbm:s0], s1  }
0x9c: {  	s0 =	simm.s32 @!p0 $0x1  }
0x9d: {  	_ =	swait.ge @!p0 [sflag:s0], s1  }
0x9e: {  	s1 =	ssub.s32 @!p0 $0x0, s1;
	[sflag:s0] =	ssyncset.done @!p0 $0x0  }
0x9f: {  	[sflag:s0] =	ssyncadd.s32 @!p0 s1  }
0xa0: {  	[bflag:$0x3] =	sbarrier.arrive $0xFFFF  }
0xa1: {  	_ =	shalt  }

</sc_bundles>
